<compile_context>
chip_gen: v7x
topology: tpu7x:2x2x1
jax: 0.10.2.dev20260603
libtpu: 0.0.44.dev20260713+nightly
codegen_flags: <defaults>
</compile_context>

<pallas_src>
import functools

import jax
import jax.numpy as jnp
from jax import lax
from jax.experimental import pallas as pl
from jax.experimental.pallas import tpu as pltpu
from jax.experimental.pallas import tpu_sc as plsc

N_NODES = 10000
N_EDGES = 320000
D = 128

NC = 2
NS = 16
NW = NC * NS
CHUNK = 80
N_CHUNKS = 125
E_PER_W = N_CHUNKS * CHUNK
E_PAD = NW * E_PER_W
N_PAD = 10240
ROWS_PER_TILE = N_PAD // NS

_mesh = plsc.VectorSubcoreMesh(core_axis_name="c", subcore_axis_name="s")

_SC_OUT_TYPE = [
    jax.ShapeDtypeStruct((NC * N_PAD, D), jnp.float32),
    jax.ShapeDtypeStruct((NW * N_PAD,), jnp.float32),
]
_SC_SCRATCH = [
    pltpu.VMEM((CHUNK,), jnp.int32),
    pltpu.VMEM((CHUNK,), jnp.int32),
    pltpu.VMEM((CHUNK,), jnp.int32),
    pltpu.VMEM((CHUNK,), jnp.int32),
    pltpu.VMEM((CHUNK, D), jnp.float32),
    pltpu.VMEM((CHUNK, D), jnp.float32),
    pltpu.VMEM((N_PAD,), jnp.float32),
    pltpu.VMEM_SHARED((N_PAD, D), jnp.float32),
    pltpu.SemaphoreType.DMA,
    pltpu.SemaphoreType.DMA,
    pltpu.SemaphoreType.DMA,
    pltpu.SemaphoreType.DMA,
    pltpu.SemaphoreType.DMA,
    pltpu.SemaphoreType.DMA,
]


def _sc_aggregate_body(src_hbm, dst_hbm, x_hbm, acc_out, deg_out,
                       src_v0, dst_v0, src_v1, dst_v1, rows_v0, rows_v1,
                       deg_loc, acc_sh, semg0, semg1, semi0, semi1,
                       sems0, sems1):
    cid = lax.axis_index("c")
    sid = lax.axis_index("s")
    wid = sid * NC + cid

    zeros16 = jnp.zeros((16,), jnp.float32)

    src_v = (src_v0, src_v1)
    dst_v = (dst_v0, dst_v1)
    rows_v = (rows_v0, rows_v1)
    semg = (semg0, semg1)
    semi = (semi0, semi1)
    sems = (sems0, sems1)

    def _fill_z(r, _):
        for c in range(D // 16):
            rows_v0[r, pl.ds(c * 16, 16)] = zeros16
        return 0
    lax.fori_loop(0, CHUNK, _fill_z, 0)

    def _fill_zdeg(r, _):
        deg_loc[pl.ds(r * 16, 16)] = zeros16
        return 0
    lax.fori_loop(0, N_PAD // 16, _fill_zdeg, 0)

    r0 = sid * ROWS_PER_TILE
    ZB = 64
    for j in range(ROWS_PER_TILE // ZB):
        pltpu.sync_copy(rows_v0.at[pl.ds(0, ZB)],
                        acc_sh.at[pl.ds(r0 + j * ZB, ZB)])
    plsc.subcore_barrier()

    base = wid * E_PER_W

    def _start_idx(j, b):
        off = base + j * CHUNK
        pltpu.async_copy(src_hbm.at[pl.ds(off, CHUNK)], src_v[b], semi[b])
        pltpu.async_copy(dst_hbm.at[pl.ds(off, CHUNK)], dst_v[b], semi[b])

    def _wait_idx(b):
        pltpu.make_async_copy(src_hbm.at[pl.ds(0, CHUNK)], src_v[b],
                              semi[b]).wait()
        pltpu.make_async_copy(dst_hbm.at[pl.ds(0, CHUNK)], dst_v[b],
                              semi[b]).wait()

    def _start_gather(b):
        pltpu.async_copy(x_hbm.at[src_v[b]], rows_v[b], semg[b])

    def _wait_gather(b):
        pltpu.make_async_copy(x_hbm.at[src_v[b]], rows_v[b], semg[b]).wait()

    def _finish_chunk(b):
        pltpu.async_copy(rows_v[b], acc_sh.at[dst_v[b]], sems[b], add=True)
        for i in range(CHUNK // 16):
            idx = dst_v[b][pl.ds(i * 16, 16)]
            cnt, last = plsc.scan_count(idx)
            plsc.addupdate_scatter(deg_loc, [idx], cnt.astype(jnp.float32),
                                   mask=last)

    def _wait_scatter(b):
        pltpu.make_async_copy(rows_v[b], acc_sh.at[dst_v[b]],
                              sems[b]).wait()

    _start_idx(0, 0)
    _wait_idx(0)
    _start_gather(0)
    _start_idx(1, 1)

    def _step(j, b, prefetch):
        _wait_gather(b)
        _wait_idx(1 - b)

        @pl.when(j >= 1)
        def _():
            _wait_scatter(1 - b)
        _start_gather(1 - b)
        _finish_chunk(b)

        @pl.when(prefetch)
        def _():
            _start_idx(j + 2, b)

    def _pair(t, _):
        j = 2 * t
        _step(j, 0, jnp.bool_(True))
        _step(j + 1, 1, t < (N_CHUNKS - 1) // 2 - 1)
        return 0

    lax.fori_loop(0, (N_CHUNKS - 1) // 2, _pair, 0)

    _wait_gather(0)
    _finish_chunk(0)
    _wait_scatter(1)
    _wait_scatter(0)
    plsc.subcore_barrier()

    out0 = cid * N_PAD + r0
    for j in range(ROWS_PER_TILE // ZB):
        pltpu.sync_copy(acc_sh.at[pl.ds(r0 + j * ZB, ZB)],
                        rows_v0.at[pl.ds(0, ZB)])
        pltpu.sync_copy(rows_v0.at[pl.ds(0, ZB)],
                        acc_out.at[pl.ds(out0 + j * ZB, ZB)])
    pltpu.sync_copy(deg_loc, deg_out.at[pl.ds(wid * N_PAD, N_PAD)])


_sc_aggregate = pl.kernel(
    _sc_aggregate_body,
    out_type=_SC_OUT_TYPE,
    mesh=_mesh,
    scratch_types=_SC_SCRATCH,
    compiler_params=pltpu.CompilerParams(needs_layout_passes=False),
)


TC_BLK = 1024


def _tc_finish_body(acc_ref, deg_ref, w_ref, b_ref, out_ref):
    a = acc_ref[0] + acc_ref[1]
    d = jnp.sum(deg_ref[...], axis=0)[:, None]
    mean = a / jnp.maximum(d, 1.0)
    out_ref[...] = (
        jnp.dot(mean, w_ref[...], preferred_element_type=jnp.float32)
        + b_ref[...]
    )


def _tc_finish(acc, deg, weight, bias2d):
    grid = (N_PAD // TC_BLK,)
    return pl.pallas_call(
        _tc_finish_body,
        grid=grid,
        in_specs=[
            pl.BlockSpec((NC, TC_BLK, D), lambda i: (0, i, 0)),
            pl.BlockSpec((NW, TC_BLK), lambda i: (0, i)),
            pl.BlockSpec((D, D), lambda i: (0, 0)),
            pl.BlockSpec((1, D), lambda i: (0, 0)),
        ],
        out_specs=pl.BlockSpec((TC_BLK, D), lambda i: (i, 0)),
        out_shape=jax.ShapeDtypeStruct((N_NODES, D), jnp.float32),
    )(acc, deg, weight, bias2d)


@jax.jit
def kernel(x, edge_index, weight, bias):
    npad = E_PAD - N_EDGES
    if npad:
        dst = jnp.concatenate(
            [edge_index[0], jnp.full((npad,), N_NODES, jnp.int32)])
        src = jnp.concatenate([edge_index[1], jnp.zeros((npad,), jnp.int32)])
    else:
        dst = edge_index[0]
        src = edge_index[1]
    acc, deg = _sc_aggregate(src, dst, x)
    acc = acc.reshape(NC, N_PAD, D)
    deg = deg.reshape(NW, N_PAD)
    return _tc_finish(acc, deg, weight, bias.reshape(1, D))

# --- scband reference (transcript-rebuilt; emitter-appended) ---
"""Pipeline reference for scband-gcnconv-77257871720698 (READ-ONLY COPY).

The authoritative reference and input builder live on the scoring server;
editing this copy changes nothing except your own understanding.
"""

import jax, jax.numpy as jnp
import numpy as np

N_NODES = 10000
N_EDGES = 320000
D_IN = 128
D_OUT = 128


def setup_inputs(seed: int = 0) -> dict:
    key = jax.random.key(seed)
    k1, k2, k3 = jax.random.split(key, 3)
    x = jax.random.normal(k1, (N_NODES, D_IN), dtype=jnp.float32)
    edge_index = jax.random.randint(k2, (2, N_EDGES), 0, N_NODES, dtype=jnp.int32)
    # glorot init for weight (root_weight exists in the module but is unused in forward)
    a = float(np.sqrt(6.0 / (D_IN + D_OUT)))
    weight = jax.random.uniform(k3, (D_IN, D_OUT), dtype=jnp.float32, minval=-a, maxval=a)
    bias = jnp.zeros((D_OUT,), dtype=jnp.float32)
    return {"x": x, "edge_index": edge_index, "weight": weight, "bias": bias}


def reference(x, edge_index, weight, bias):
    # adj.matmul(x, reduce='mean'): out[dst] = mean over incoming neighbors src of x[src]
    dst = edge_index[0]
    src = edge_index[1]
    msg = jnp.take(x, src, axis=0)                                   # gather  [E, D_IN]
    agg = jax.ops.segment_sum(msg, dst, num_segments=N_NODES)        # scatter-add [N, D_IN]
    deg = jax.ops.segment_sum(jnp.ones((N_EDGES,), dtype=x.dtype), dst, num_segments=N_NODES)
    mean = agg / jnp.clip(deg, 1.0, None)[:, None]
    out = mean @ weight + bias
    return out

if __name__ == "__main__":
    import jax
    _d = setup_inputs()
    print(jax.jit(kernel)(*tuple(_d.values())))

</pallas_src>

<mosaic_0001>
#map = affine_map<(d0, d1) -> (0)>
#map1 = affine_map<(d0, d1) -> (0, 0)>
module attributes {stable_mosaic.version = 14 : i64} {
  func.func @_sc_aggregate_body(%arg0: i32, %arg1: i32, %arg2: memref<320000xi32, #tpu.memory_space<hbm>>, %arg3: memref<320000xi32, #tpu.memory_space<hbm>>, %arg4: memref<10000x128xf32, #tpu.memory_space<hbm>>, %arg5: memref<20480x128xf32, #tpu.memory_space<hbm>>, %arg6: memref<327680xf32, #tpu.memory_space<hbm>>, %arg7: memref<80xi32, #tpu.memory_space<vmem>>, %arg8: memref<80xi32, #tpu.memory_space<vmem>>, %arg9: memref<80xi32, #tpu.memory_space<vmem>>, %arg10: memref<80xi32, #tpu.memory_space<vmem>>, %arg11: memref<80x128xf32, #tpu.memory_space<vmem>>, %arg12: memref<80x128xf32, #tpu.memory_space<vmem>>, %arg13: memref<10240xf32, #tpu.memory_space<vmem>>, %arg14: memref<10240x128xf32, #tpu.memory_space<vmem_shared>>, %arg15: memref<!tpu.dma_semaphore, #tpu.memory_space<semaphore_mem>>, %arg16: memref<!tpu.dma_semaphore, #tpu.memory_space<semaphore_mem>>, %arg17: memref<!tpu.dma_semaphore, #tpu.memory_space<semaphore_mem>>, %arg18: memref<!tpu.dma_semaphore, #tpu.memory_space<semaphore_mem>>, %arg19: memref<!tpu.dma_semaphore, #tpu.memory_space<semaphore_mem>>, %arg20: memref<!tpu.dma_semaphore, #tpu.memory_space<semaphore_mem>>) attributes {dimension_semantics = [#tpu.dimension_semantics<core_parallel>, #tpu.dimension_semantics<subcore_parallel>], iteration_bounds = array<i64: 2, 16>, scalar_prefetch = 0 : i64, scratch_operands = 14 : i64, tpu.core_type = #tpu.core_type<sc_vector_subcore>, window_params = [{transform_indices = #map}, {transform_indices = #map}, {transform_indices = #map1}, {transform_indices = #map1}, {transform_indices = #map}]} {
    %mul3A = arith.constant 2 : i32
    %mul3A_0 = arith.muli %arg1, %mul3A : i32
    %add3A = arith.addi %mul3A_0, %arg0 : i32
    %broadcast_in_dim3A = arith.constant 0.000000e+00 : f32
    %broadcast_in_dim3A_1 = vector.broadcast %broadcast_in_dim3A : f32 to vector<16xf32>
    %scan3A = arith.constant 0 : i32
    %scan3A_2 = arith.constant 0 : i32
    %scan3A_3 = arith.constant 80 : i32
    %scan3A_4 = arith.addi %scan3A_2, %scan3A_3 : i32
    %scan3A_5 = arith.constant 1 : i32
    %scan3A_6 = scf.for %scan3A_157 = %scan3A_2 to %scan3A_4 step %scan3A_5 iter_args(%scan3A_158 = %scan3A) -> (i32)  : i32 {
      %swap3A = arith.index_cast %scan3A_157 : i32 to index
      %swap3A_159 = arith.constant 0 : index
      %swap3A_160 = tpu.vector_load %arg11[%swap3A, %swap3A_159] {strides = array<i32>} : memref<80x128xf32, #tpu.memory_space<vmem>>, vector<16xf32>,
      tpu.vector_store %arg11[%swap3A, %swap3A_159], %broadcast_in_dim3A_1 {strides = array<i32>} : memref<80x128xf32, #tpu.memory_space<vmem>>, vector<16xf32>,
      %swap3A_161 = arith.index_cast %scan3A_157 : i32 to index
      %swap3A_162 = arith.constant 16 : index
      %swap3A_163 = tpu.vector_load %arg11[%swap3A_161, %swap3A_162] {strides = array<i32>} : memref<80x128xf32, #tpu.memory_space<vmem>>, vector<16xf32>,
      tpu.vector_store %arg11[%swap3A_161, %swap3A_162], %broadcast_in_dim3A_1 {strides = array<i32>} : memref<80x128xf32, #tpu.memory_space<vmem>>, vector<16xf32>,
      %swap3A_164 = arith.index_cast %scan3A_157 : i32 to index
      %swap3A_165 = arith.constant 32 : index
      %swap3A_166 = tpu.vector_load %arg11[%swap3A_164, %swap3A_165] {strides = array<i32>} : memref<80x128xf32, #tpu.memory_space<vmem>>, vector<16xf32>,
      tpu.vector_store %arg11[%swap3A_164, %swap3A_165], %broadcast_in_dim3A_1 {strides = array<i32>} : memref<80x128xf32, #tpu.memory_space<vmem>>, vector<16xf32>,
      %swap3A_167 = arith.index_cast %scan3A_157 : i32 to index
      %swap3A_168 = arith.constant 48 : index
      %swap3A_169 = tpu.vector_load %arg11[%swap3A_167, %swap3A_168] {strides = array<i32>} : memref<80x128xf32, #tpu.memory_space<vmem>>, vector<16xf32>,
      tpu.vector_store %arg11[%swap3A_167, %swap3A_168], %broadcast_in_dim3A_1 {strides = array<i32>} : memref<80x128xf32, #tpu.memory_space<vmem>>, vector<16xf32>,
      %swap3A_170 = arith.index_cast %scan3A_157 : i32 to index
      %swap3A_171 = arith.constant 64 : index
      %swap3A_172 = tpu.vector_load %arg11[%swap3A_170, %swap3A_171] {strides = array<i32>} : memref<80x128xf32, #tpu.memory_space<vmem>>, vector<16xf32>,
      tpu.vector_store %arg11[%swap3A_170, %swap3A_171], %broadcast_in_dim3A_1 {strides = array<i32>} : memref<80x128xf32, #tpu.memory_space<vmem>>, vector<16xf32>,
      %swap3A_173 = arith.index_cast %scan3A_157 : i32 to index
      %swap3A_174 = arith.constant 80 : index
      %swap3A_175 = tpu.vector_load %arg11[%swap3A_173, %swap3A_174] {strides = array<i32>} : memref<80x128xf32, #tpu.memory_space<vmem>>, vector<16xf32>,
      tpu.vector_store %arg11[%swap3A_173, %swap3A_174], %broadcast_in_dim3A_1 {strides = array<i32>} : memref<80x128xf32, #tpu.memory_space<vmem>>, vector<16xf32>,
      %swap3A_176 = arith.index_cast %scan3A_157 : i32 to index
      %swap3A_177 = arith.constant 96 : index
      %swap3A_178 = tpu.vector_load %arg11[%swap3A_176, %swap3A_177] {strides = array<i32>} : memref<80x128xf32, #tpu.memory_space<vmem>>, vector<16xf32>,
      tpu.vector_store %arg11[%swap3A_176, %swap3A_177], %broadcast_in_dim3A_1 {strides = array<i32>} : memref<80x128xf32, #tpu.memory_space<vmem>>, vector<16xf32>,
      %swap3A_179 = arith.index_cast %scan3A_157 : i32 to index
      %swap3A_180 = arith.constant 112 : index
      %swap3A_181 = tpu.vector_load %arg11[%swap3A_179, %swap3A_180] {strides = array<i32>} : memref<80x128xf32, #tpu.memory_space<vmem>>, vector<16xf32>,
      tpu.vector_store %arg11[%swap3A_179, %swap3A_180], %broadcast_in_dim3A_1 {strides = array<i32>} : memref<80x128xf32, #tpu.memory_space<vmem>>, vector<16xf32>,
      %scan3A_182 = arith.constant 0 : i32
      scf.yield %scan3A_182 : i32
    }
    %scan3A_7 = arith.constant 80 : i32
    %scan3A_8 = arith.constant 0 : i32
    %scan3A_9 = arith.constant 0 : i32
    %scan3A_10 = arith.constant 640 : i32
    %scan3A_11 = arith.addi %scan3A_9, %scan3A_10 : i32
    %scan3A_12 = arith.constant 1 : i32
    %scan3A_13 = scf.for %scan3A_157 = %scan3A_9 to %scan3A_11 step %scan3A_12 iter_args(%scan3A_158 = %scan3A_8) -> (i32)  : i32 {
      %mul3A_159 = arith.constant 16 : i32
      %mul3A_160 = arith.muli %scan3A_157, %mul3A_159 : i32
      %swap3A = arith.index_cast %mul3A_160 : i32 to index
      %swap3A_161 = tpu.vector_load %arg13[%swap3A] {strides = array<i32>} : memref<10240xf32, #tpu.memory_space<vmem>>, vector<16xf32>,
      tpu.vector_store %arg13[%swap3A], %broadcast_in_dim3A_1 {strides = array<i32>} : memref<10240xf32, #tpu.memory_space<vmem>>, vector<16xf32>,
      %scan3A_162 = arith.constant 0 : i32
      scf.yield %scan3A_162 : i32
    }
    %scan3A_14 = arith.constant 640 : i32
    %mul3A_15 = arith.constant 640 : i32
    %mul3A_16 = arith.muli %arg1, %mul3A_15 : i32
    %add3A_17 = arith.constant 0 : i32
    %add3A_18 = arith.addi %mul3A_16, %add3A_17 : i32
    "tpu.region"() ({
      %run_scoped3A = tpu.sem_alloc : memref<!tpu.dma_semaphore, #tpu.memory_space<semaphore_mem>>
      %dma_start3A_157 = arith.constant 0 : i32
      %dma_start3A_158 = arith.constant 0 : i32
      %dma_start3A_159 = tpu.memref_slice %arg11[%dma_start3A_157, %dma_start3A_158] : memref<80x128xf32, #tpu.memory_space<vmem>> -> memref<64x128xf32, #tpu.memory_space<vmem>>
      %dma_start3A_160 = arith.constant 0 : i32
      %dma_start3A_161 = tpu.memref_slice %arg14[%add3A_18, %dma_start3A_160] : memref<10240x128xf32, #tpu.memory_space<vmem_shared>> -> memref<64x128xf32, #tpu.memory_space<vmem_shared>>
      %dma_start3A_162 = arith.constant 0 : i32
      %dma_start3A_163 = tpu.memref_slice %arg14[%add3A_18, %dma_start3A_162] : memref<10240x128xf32, #tpu.memory_space<vmem_shared>> -> memref<64x128xf32, #tpu.memory_space<vmem_shared>>
      %dma_start3A_164 = arith.constant 0 : i32
      %dma_start3A_165 = arith.constant 0 : i32
      %dma_start3A_166 = tpu.memref_slice %arg11[%dma_start3A_164, %dma_start3A_165] : memref<80x128xf32, #tpu.memory_space<vmem>> -> memref<64x128xf32, #tpu.memory_space<vmem>>
      tpu.enqueue_dma source(%dma_start3A_166 : memref<64x128xf32, #tpu.memory_space<vmem>>) target(%dma_start3A_163 : memref<64x128xf32, #tpu.memory_space<vmem_shared>>) target_semaphore(%run_scoped3A : memref<!tpu.dma_semaphore, #tpu.memory_space<semaphore_mem>>)
      %dma_wait3A_167 = arith.constant 0 : i32
      %dma_wait3A_168 = arith.constant 0 : i32
      %dma_wait3A_169 = tpu.memref_slice %arg11[%dma_wait3A_167, %dma_wait3A_168] : memref<80x128xf32, #tpu.memory_space<vmem>> -> memref<64x128xf32, #tpu.memory_space<vmem>>
      %dma_wait3A_170 = arith.constant 0 : i32
      %dma_wait3A_171 = tpu.memref_slice %arg14[%add3A_18, %dma_wait3A_170] : memref<10240x128xf32, #tpu.memory_space<vmem_shared>> -> memref<64x128xf32, #tpu.memory_space<vmem_shared>>
      %dma_wait3A_172 = arith.constant 0 : i32
      %dma_wait3A_173 = tpu.memref_slice %arg14[%add3A_18, %dma_wait3A_172] : memref<10240x128xf32, #tpu.memory_space<vmem_shared>> -> memref<64x128xf32, #tpu.memory_space<vmem_shared>>
      %dma_wait3A_174 = arith.constant 0 : i32
      %dma_wait3A_175 = arith.constant 0 : i32
      %dma_wait3A_176 = tpu.memref_slice %arg11[%dma_wait3A_174, %dma_wait3A_175] : memref<80x128xf32, #tpu.memory_space<vmem>> -> memref<64x128xf32, #tpu.memory_space<vmem>>
      tpu.wait_dma2 semaphore(%run_scoped3A : memref<!tpu.dma_semaphore, #tpu.memory_space<semaphore_mem>>) src(%dma_wait3A_176 : memref<64x128xf32, #tpu.memory_space<vmem>>) dst(%dma_wait3A_173 : memref<64x128xf32, #tpu.memory_space<vmem_shared>>)
      tpu.yield
    }) : () -> ()
    %add3A_19 = arith.constant 64 : i32
    %add3A_20 = arith.addi %mul3A_16, %add3A_19 : i32
    "tpu.region"() ({
      %run_scoped3A = tpu.sem_alloc : memref<!tpu.dma_semaphore, #tpu.memory_space<semaphore_mem>>
      %dma_start3A_157 = arith.constant 0 : i32
      %dma_start3A_158 = arith.constant 0 : i32
      %dma_start3A_159 = tpu.memref_slice %arg11[%dma_start3A_157, %dma_start3A_158] : memref<80x128xf32, #tpu.memory_space<vmem>> -> memref<64x128xf32, #tpu.memory_space<vmem>>
      %dma_start3A_160 = arith.constant 0 : i32
      %dma_start3A_161 = tpu.memref_slice %arg14[%add3A_20, %dma_start3A_160] : memref<10240x128xf32, #tpu.memory_space<vmem_shared>> -> memref<64x128xf32, #tpu.memory_space<vmem_shared>>
      %dma_start3A_162 = arith.constant 0 : i32
      %dma_start3A_163 = tpu.memref_slice %arg14[%add3A_20, %dma_start3A_162] : memref<10240x128xf32, #tpu.memory_space<vmem_shared>> -> memref<64x128xf32, #tpu.memory_space<vmem_shared>>
      %dma_start3A_164 = arith.constant 0 : i32
      %dma_start3A_165 = arith.constant 0 : i32
      %dma_start3A_166 = tpu.memref_slice %arg11[%dma_start3A_164, %dma_start3A_165] : memref<80x128xf32, #tpu.memory_space<vmem>> -> memref<64x128xf32, #tpu.memory_space<vmem>>
      tpu.enqueue_dma source(%dma_start3A_166 : memref<64x128xf32, #tpu.memory_space<vmem>>) target(%dma_start3A_163 : memref<64x128xf32, #tpu.memory_space<vmem_shared>>) target_semaphore(%run_scoped3A : memref<!tpu.dma_semaphore, #tpu.memory_space<semaphore_mem>>)
      %dma_wait3A_167 = arith.constant 0 : i32
      %dma_wait3A_168 = arith.constant 0 : i32
      %dma_wait3A_169 = tpu.memref_slice %arg11[%dma_wait3A_167, %dma_wait3A_168] : memref<80x128xf32, #tpu.memory_space<vmem>> -> memref<64x128xf32, #tpu.memory_space<vmem>>
      %dma_wait3A_170 = arith.constant 0 : i32
      %dma_wait3A_171 = tpu.memref_slice %arg14[%add3A_20, %dma_wait3A_170] : memref<10240x128xf32, #tpu.memory_space<vmem_shared>> -> memref<64x128xf32, #tpu.memory_space<vmem_shared>>
      %dma_wait3A_172 = arith.constant 0 : i32
      %dma_wait3A_173 = tpu.memref_slice %arg14[%add3A_20, %dma_wait3A_172] : memref<10240x128xf32, #tpu.memory_space<vmem_shared>> -> memref<64x128xf32, #tpu.memory_space<vmem_shared>>
      %dma_wait3A_174 = arith.constant 0 : i32
      %dma_wait3A_175 = arith.constant 0 : i32
      %dma_wait3A_176 = tpu.memref_slice %arg11[%dma_wait3A_174, %dma_wait3A_175] : memref<80x128xf32, #tpu.memory_space<vmem>> -> memref<64x128xf32, #tpu.memory_space<vmem>>
      tpu.wait_dma2 semaphore(%run_scoped3A : memref<!tpu.dma_semaphore, #tpu.memory_space<semaphore_mem>>) src(%dma_wait3A_176 : memref<64x128xf32, #tpu.memory_space<vmem>>) dst(%dma_wait3A_173 : memref<64x128xf32, #tpu.memory_space<vmem_shared>>)
      tpu.yield
    }) : () -> ()
    %add3A_21 = arith.constant 128 : i32
    %add3A_22 = arith.addi %mul3A_16, %add3A_21 : i32
    "tpu.region"() ({
      %run_scoped3A = tpu.sem_alloc : memref<!tpu.dma_semaphore, #tpu.memory_space<semaphore_mem>>
      %dma_start3A_157 = arith.constant 0 : i32
      %dma_start3A_158 = arith.constant 0 : i32
      %dma_start3A_159 = tpu.memref_slice %arg11[%dma_start3A_157, %dma_start3A_158] : memref<80x128xf32, #tpu.memory_space<vmem>> -> memref<64x128xf32, #tpu.memory_space<vmem>>
      %dma_start3A_160 = arith.constant 0 : i32
      %dma_start3A_161 = tpu.memref_slice %arg14[%add3A_22, %dma_start3A_160] : memref<10240x128xf32, #tpu.memory_space<vmem_shared>> -> memref<64x128xf32, #tpu.memory_space<vmem_shared>>
      %dma_start3A_162 = arith.constant 0 : i32
      %dma_start3A_163 = tpu.memref_slice %arg14[%add3A_22, %dma_start3A_162] : memref<10240x128xf32, #tpu.memory_space<vmem_shared>> -> memref<64x128xf32, #tpu.memory_space<vmem_shared>>
      %dma_start3A_164 = arith.constant 0 : i32
      %dma_start3A_165 = arith.constant 0 : i32
      %dma_start3A_166 = tpu.memref_slice %arg11[%dma_start3A_164, %dma_start3A_165] : memref<80x128xf32, #tpu.memory_space<vmem>> -> memref<64x128xf32, #tpu.memory_space<vmem>>
      tpu.enqueue_dma source(%dma_start3A_166 : memref<64x128xf32, #tpu.memory_space<vmem>>) target(%dma_start3A_163 : memref<64x128xf32, #tpu.memory_space<vmem_shared>>) target_semaphore(%run_scoped3A : memref<!tpu.dma_semaphore, #tpu.memory_space<semaphore_mem>>)
      %dma_wait3A_167 = arith.constant 0 : i32
      %dma_wait3A_168 = arith.constant 0 : i32
      %dma_wait3A_169 = tpu.memref_slice %arg11[%dma_wait3A_167, %dma_wait3A_168] : memref<80x128xf32, #tpu.memory_space<vmem>> -> memref<64x128xf32, #tpu.memory_space<vmem>>
      %dma_wait3A_170 = arith.constant 0 : i32
      %dma_wait3A_171 = tpu.memref_slice %arg14[%add3A_22, %dma_wait3A_170] : memref<10240x128xf32, #tpu.memory_space<vmem_shared>> -> memref<64x128xf32, #tpu.memory_space<vmem_shared>>
      %dma_wait3A_172 = arith.constant 0 : i32
      %dma_wait3A_173 = tpu.memref_slice %arg14[%add3A_22, %dma_wait3A_172] : memref<10240x128xf32, #tpu.memory_space<vmem_shared>> -> memref<64x128xf32, #tpu.memory_space<vmem_shared>>
      %dma_wait3A_174 = arith.constant 0 : i32
      %dma_wait3A_175 = arith.constant 0 : i32
      %dma_wait3A_176 = tpu.memref_slice %arg11[%dma_wait3A_174, %dma_wait3A_175] : memref<80x128xf32, #tpu.memory_space<vmem>> -> memref<64x128xf32, #tpu.memory_space<vmem>>
      tpu.wait_dma2 semaphore(%run_scoped3A : memref<!tpu.dma_semaphore, #tpu.memory_space<semaphore_mem>>) src(%dma_wait3A_176 : memref<64x128xf32, #tpu.memory_space<vmem>>) dst(%dma_wait3A_173 : memref<64x128xf32, #tpu.memory_space<vmem_shared>>)
      tpu.yield
    }) : () -> ()
    %add3A_23 = arith.constant 192 : i32
    %add3A_24 = arith.addi %mul3A_16, %add3A_23 : i32
    "tpu.region"() ({
      %run_scoped3A = tpu.sem_alloc : memref<!tpu.dma_semaphore, #tpu.memory_space<semaphore_mem>>
      %dma_start3A_157 = arith.constant 0 : i32
      %dma_start3A_158 = arith.constant 0 : i32
      %dma_start3A_159 = tpu.memref_slice %arg11[%dma_start3A_157, %dma_start3A_158] : memref<80x128xf32, #tpu.memory_space<vmem>> -> memref<64x128xf32, #tpu.memory_space<vmem>>
      %dma_start3A_160 = arith.constant 0 : i32
      %dma_start3A_161 = tpu.memref_slice %arg14[%add3A_24, %dma_start3A_160] : memref<10240x128xf32, #tpu.memory_space<vmem_shared>> -> memref<64x128xf32, #tpu.memory_space<vmem_shared>>
      %dma_start3A_162 = arith.constant 0 : i32
      %dma_start3A_163 = tpu.memref_slice %arg14[%add3A_24, %dma_start3A_162] : memref<10240x128xf32, #tpu.memory_space<vmem_shared>> -> memref<64x128xf32, #tpu.memory_space<vmem_shared>>
      %dma_start3A_164 = arith.constant 0 : i32
      %dma_start3A_165 = arith.constant 0 : i32
      %dma_start3A_166 = tpu.memref_slice %arg11[%dma_start3A_164, %dma_start3A_165] : memref<80x128xf32, #tpu.memory_space<vmem>> -> memref<64x128xf32, #tpu.memory_space<vmem>>
      tpu.enqueue_dma source(%dma_start3A_166 : memref<64x128xf32, #tpu.memory_space<vmem>>) target(%dma_start3A_163 : memref<64x128xf32, #tpu.memory_space<vmem_shared>>) target_semaphore(%run_scoped3A : memref<!tpu.dma_semaphore, #tpu.memory_space<semaphore_mem>>)
      %dma_wait3A_167 = arith.constant 0 : i32
      %dma_wait3A_168 = arith.constant 0 : i32
      %dma_wait3A_169 = tpu.memref_slice %arg11[%dma_wait3A_167, %dma_wait3A_168] : memref<80x128xf32, #tpu.memory_space<vmem>> -> memref<64x128xf32, #tpu.memory_space<vmem>>
      %dma_wait3A_170 = arith.constant 0 : i32
      %dma_wait3A_171 = tpu.memref_slice %arg14[%add3A_24, %dma_wait3A_170] : memref<10240x128xf32, #tpu.memory_space<vmem_shared>> -> memref<64x128xf32, #tpu.memory_space<vmem_shared>>
      %dma_wait3A_172 = arith.constant 0 : i32
      %dma_wait3A_173 = tpu.memref_slice %arg14[%add3A_24, %dma_wait3A_172] : memref<10240x128xf32, #tpu.memory_space<vmem_shared>> -> memref<64x128xf32, #tpu.memory_space<vmem_shared>>
      %dma_wait3A_174 = arith.constant 0 : i32
      %dma_wait3A_175 = arith.constant 0 : i32
      %dma_wait3A_176 = tpu.memref_slice %arg11[%dma_wait3A_174, %dma_wait3A_175] : memref<80x128xf32, #tpu.memory_space<vmem>> -> memref<64x128xf32, #tpu.memory_space<vmem>>
      tpu.wait_dma2 semaphore(%run_scoped3A : memref<!tpu.dma_semaphore, #tpu.memory_space<semaphore_mem>>) src(%dma_wait3A_176 : memref<64x128xf32, #tpu.memory_space<vmem>>) dst(%dma_wait3A_173 : memref<64x128xf32, #tpu.memory_space<vmem_shared>>)
      tpu.yield
    }) : () -> ()
    %add3A_25 = arith.constant 256 : i32
    %add3A_26 = arith.addi %mul3A_16, %add3A_25 : i32
    "tpu.region"() ({
      %run_scoped3A = tpu.sem_alloc : memref<!tpu.dma_semaphore, #tpu.memory_space<semaphore_mem>>
      %dma_start3A_157 = arith.constant 0 : i32
      %dma_start3A_158 = arith.constant 0 : i32
      %dma_start3A_159 = tpu.memref_slice %arg11[%dma_start3A_157, %dma_start3A_158] : memref<80x128xf32, #tpu.memory_space<vmem>> -> memref<64x128xf32, #tpu.memory_space<vmem>>
      %dma_start3A_160 = arith.constant 0 : i32
      %dma_start3A_161 = tpu.memref_slice %arg14[%add3A_26, %dma_start3A_160] : memref<10240x128xf32, #tpu.memory_space<vmem_shared>> -> memref<64x128xf32, #tpu.memory_space<vmem_shared>>
      %dma_start3A_162 = arith.constant 0 : i32
      %dma_start3A_163 = tpu.memref_slice %arg14[%add3A_26, %dma_start3A_162] : memref<10240x128xf32, #tpu.memory_space<vmem_shared>> -> memref<64x128xf32, #tpu.memory_space<vmem_shared>>
      %dma_start3A_164 = arith.constant 0 : i32
      %dma_start3A_165 = arith.constant 0 : i32
      %dma_start3A_166 = tpu.memref_slice %arg11[%dma_start3A_164, %dma_start3A_165] : memref<80x128xf32, #tpu.memory_space<vmem>> -> memref<64x128xf32, #tpu.memory_space<vmem>>
      tpu.enqueue_dma source(%dma_start3A_166 : memref<64x128xf32, #tpu.memory_space<vmem>>) target(%dma_start3A_163 : memref<64x128xf32, #tpu.memory_space<vmem_shared>>) target_semaphore(%run_scoped3A : memref<!tpu.dma_semaphore, #tpu.memory_space<semaphore_mem>>)
      %dma_wait3A_167 = arith.constant 0 : i32
      %dma_wait3A_168 = arith.constant 0 : i32
      %dma_wait3A_169 = tpu.memref_slice %arg11[%dma_wait3A_167, %dma_wait3A_168] : memref<80x128xf32, #tpu.memory_space<vmem>> -> memref<64x128xf32, #tpu.memory_space<vmem>>
      %dma_wait3A_170 = arith.constant 0 : i32
      %dma_wait3A_171 = tpu.memref_slice %arg14[%add3A_26, %dma_wait3A_170] : memref<10240x128xf32, #tpu.memory_space<vmem_shared>> -> memref<64x128xf32, #tpu.memory_space<vmem_shared>>
      %dma_wait3A_172 = arith.constant 0 : i32
      %dma_wait3A_173 = tpu.memref_slice %arg14[%add3A_26, %dma_wait3A_172] : memref<10240x128xf32, #tpu.memory_space<vmem_shared>> -> memref<64x128xf32, #tpu.memory_space<vmem_shared>>
      %dma_wait3A_174 = arith.constant 0 : i32
      %dma_wait3A_175 = arith.constant 0 : i32
      %dma_wait3A_176 = tpu.memref_slice %arg11[%dma_wait3A_174, %dma_wait3A_175] : memref<80x128xf32, #tpu.memory_space<vmem>> -> memref<64x128xf32, #tpu.memory_space<vmem>>
      tpu.wait_dma2 semaphore(%run_scoped3A : memref<!tpu.dma_semaphore, #tpu.memory_space<semaphore_mem>>) src(%dma_wait3A_176 : memref<64x128xf32, #tpu.memory_space<vmem>>) dst(%dma_wait3A_173 : memref<64x128xf32, #tpu.memory_space<vmem_shared>>)
      tpu.yield
    }) : () -> ()
    %add3A_27 = arith.constant 320 : i32
    %add3A_28 = arith.addi %mul3A_16, %add3A_27 : i32
    "tpu.region"() ({
      %run_scoped3A = tpu.sem_alloc : memref<!tpu.dma_semaphore, #tpu.memory_space<semaphore_mem>>
      %dma_start3A_157 = arith.constant 0 : i32
      %dma_start3A_158 = arith.constant 0 : i32
      %dma_start3A_159 = tpu.memref_slice %arg11[%dma_start3A_157, %dma_start3A_158] : memref<80x128xf32, #tpu.memory_space<vmem>> -> memref<64x128xf32, #tpu.memory_space<vmem>>
      %dma_start3A_160 = arith.constant 0 : i32
      %dma_start3A_161 = tpu.memref_slice %arg14[%add3A_28, %dma_start3A_160] : memref<10240x128xf32, #tpu.memory_space<vmem_shared>> -> memref<64x128xf32, #tpu.memory_space<vmem_shared>>
      %dma_start3A_162 = arith.constant 0 : i32
      %dma_start3A_163 = tpu.memref_slice %arg14[%add3A_28, %dma_start3A_162] : memref<10240x128xf32, #tpu.memory_space<vmem_shared>> -> memref<64x128xf32, #tpu.memory_space<vmem_shared>>
      %dma_start3A_164 = arith.constant 0 : i32
      %dma_start3A_165 = arith.constant 0 : i32
      %dma_start3A_166 = tpu.memref_slice %arg11[%dma_start3A_164, %dma_start3A_165] : memref<80x128xf32, #tpu.memory_space<vmem>> -> memref<64x128xf32, #tpu.memory_space<vmem>>
      tpu.enqueue_dma source(%dma_start3A_166 : memref<64x128xf32, #tpu.memory_space<vmem>>) target(%dma_start3A_163 : memref<64x128xf32, #tpu.memory_space<vmem_shared>>) target_semaphore(%run_scoped3A : memref<!tpu.dma_semaphore, #tpu.memory_space<semaphore_mem>>)
      %dma_wait3A_167 = arith.constant 0 : i32
      %dma_wait3A_168 = arith.constant 0 : i32
      %dma_wait3A_169 = tpu.memref_slice %arg11[%dma_wait3A_167, %dma_wait3A_168] : memref<80x128xf32, #tpu.memory_space<vmem>> -> memref<64x128xf32, #tpu.memory_space<vmem>>
      %dma_wait3A_170 = arith.constant 0 : i32
      %dma_wait3A_171 = tpu.memref_slice %arg14[%add3A_28, %dma_wait3A_170] : memref<10240x128xf32, #tpu.memory_space<vmem_shared>> -> memref<64x128xf32, #tpu.memory_space<vmem_shared>>
      %dma_wait3A_172 = arith.constant 0 : i32
      %dma_wait3A_173 = tpu.memref_slice %arg14[%add3A_28, %dma_wait3A_172] : memref<10240x128xf32, #tpu.memory_space<vmem_shared>> -> memref<64x128xf32, #tpu.memory_space<vmem_shared>>
      %dma_wait3A_174 = arith.constant 0 : i32
      %dma_wait3A_175 = arith.constant 0 : i32
      %dma_wait3A_176 = tpu.memref_slice %arg11[%dma_wait3A_174, %dma_wait3A_175] : memref<80x128xf32, #tpu.memory_space<vmem>> -> memref<64x128xf32, #tpu.memory_space<vmem>>
      tpu.wait_dma2 semaphore(%run_scoped3A : memref<!tpu.dma_semaphore, #tpu.memory_space<semaphore_mem>>) src(%dma_wait3A_176 : memref<64x128xf32, #tpu.memory_space<vmem>>) dst(%dma_wait3A_173 : memref<64x128xf32, #tpu.memory_space<vmem_shared>>)
      tpu.yield
    }) : () -> ()
    %add3A_29 = arith.constant 384 : i32
    %add3A_30 = arith.addi %mul3A_16, %add3A_29 : i32
    "tpu.region"() ({
      %run_scoped3A = tpu.sem_alloc : memref<!tpu.dma_semaphore, #tpu.memory_space<semaphore_mem>>
      %dma_start3A_157 = arith.constant 0 : i32
      %dma_start3A_158 = arith.constant 0 : i32
      %dma_start3A_159 = tpu.memref_slice %arg11[%dma_start3A_157, %dma_start3A_158] : memref<80x128xf32, #tpu.memory_space<vmem>> -> memref<64x128xf32, #tpu.memory_space<vmem>>
      %dma_start3A_160 = arith.constant 0 : i32
      %dma_start3A_161 = tpu.memref_slice %arg14[%add3A_30, %dma_start3A_160] : memref<10240x128xf32, #tpu.memory_space<vmem_shared>> -> memref<64x128xf32, #tpu.memory_space<vmem_shared>>
      %dma_start3A_162 = arith.constant 0 : i32
      %dma_start3A_163 = tpu.memref_slice %arg14[%add3A_30, %dma_start3A_162] : memref<10240x128xf32, #tpu.memory_space<vmem_shared>> -> memref<64x128xf32, #tpu.memory_space<vmem_shared>>
      %dma_start3A_164 = arith.constant 0 : i32
      %dma_start3A_165 = arith.constant 0 : i32
      %dma_start3A_166 = tpu.memref_slice %arg11[%dma_start3A_164, %dma_start3A_165] : memref<80x128xf32, #tpu.memory_space<vmem>> -> memref<64x128xf32, #tpu.memory_space<vmem>>
      tpu.enqueue_dma source(%dma_start3A_166 : memref<64x128xf32, #tpu.memory_space<vmem>>) target(%dma_start3A_163 : memref<64x128xf32, #tpu.memory_space<vmem_shared>>) target_semaphore(%run_scoped3A : memref<!tpu.dma_semaphore, #tpu.memory_space<semaphore_mem>>)
      %dma_wait3A_167 = arith.constant 0 : i32
      %dma_wait3A_168 = arith.constant 0 : i32
      %dma_wait3A_169 = tpu.memref_slice %arg11[%dma_wait3A_167, %dma_wait3A_168] : memref<80x128xf32, #tpu.memory_space<vmem>> -> memref<64x128xf32, #tpu.memory_space<vmem>>
      %dma_wait3A_170 = arith.constant 0 : i32
      %dma_wait3A_171 = tpu.memref_slice %arg14[%add3A_30, %dma_wait3A_170] : memref<10240x128xf32, #tpu.memory_space<vmem_shared>> -> memref<64x128xf32, #tpu.memory_space<vmem_shared>>
      %dma_wait3A_172 = arith.constant 0 : i32
      %dma_wait3A_173 = tpu.memref_slice %arg14[%add3A_30, %dma_wait3A_172] : memref<10240x128xf32, #tpu.memory_space<vmem_shared>> -> memref<64x128xf32, #tpu.memory_space<vmem_shared>>
      %dma_wait3A_174 = arith.constant 0 : i32
      %dma_wait3A_175 = arith.constant 0 : i32
      %dma_wait3A_176 = tpu.memref_slice %arg11[%dma_wait3A_174, %dma_wait3A_175] : memref<80x128xf32, #tpu.memory_space<vmem>> -> memref<64x128xf32, #tpu.memory_space<vmem>>
      tpu.wait_dma2 semaphore(%run_scoped3A : memref<!tpu.dma_semaphore, #tpu.memory_space<semaphore_mem>>) src(%dma_wait3A_176 : memref<64x128xf32, #tpu.memory_space<vmem>>) dst(%dma_wait3A_173 : memref<64x128xf32, #tpu.memory_space<vmem_shared>>)
      tpu.yield
    }) : () -> ()
    %add3A_31 = arith.constant 448 : i32
    %add3A_32 = arith.addi %mul3A_16, %add3A_31 : i32
    "tpu.region"() ({
      %run_scoped3A = tpu.sem_alloc : memref<!tpu.dma_semaphore, #tpu.memory_space<semaphore_mem>>
      %dma_start3A_157 = arith.constant 0 : i32
      %dma_start3A_158 = arith.constant 0 : i32
      %dma_start3A_159 = tpu.memref_slice %arg11[%dma_start3A_157, %dma_start3A_158] : memref<80x128xf32, #tpu.memory_space<vmem>> -> memref<64x128xf32, #tpu.memory_space<vmem>>
      %dma_start3A_160 = arith.constant 0 : i32
      %dma_start3A_161 = tpu.memref_slice %arg14[%add3A_32, %dma_start3A_160] : memref<10240x128xf32, #tpu.memory_space<vmem_shared>> -> memref<64x128xf32, #tpu.memory_space<vmem_shared>>
      %dma_start3A_162 = arith.constant 0 : i32
      %dma_start3A_163 = tpu.memref_slice %arg14[%add3A_32, %dma_start3A_162] : memref<10240x128xf32, #tpu.memory_space<vmem_shared>> -> memref<64x128xf32, #tpu.memory_space<vmem_shared>>
      %dma_start3A_164 = arith.constant 0 : i32
      %dma_start3A_165 = arith.constant 0 : i32
      %dma_start3A_166 = tpu.memref_slice %arg11[%dma_start3A_164, %dma_start3A_165] : memref<80x128xf32, #tpu.memory_space<vmem>> -> memref<64x128xf32, #tpu.memory_space<vmem>>
      tpu.enqueue_dma source(%dma_start3A_166 : memref<64x128xf32, #tpu.memory_space<vmem>>) target(%dma_start3A_163 : memref<64x128xf32, #tpu.memory_space<vmem_shared>>) target_semaphore(%run_scoped3A : memref<!tpu.dma_semaphore, #tpu.memory_space<semaphore_mem>>)
      %dma_wait3A_167 = arith.constant 0 : i32
      %dma_wait3A_168 = arith.constant 0 : i32
      %dma_wait3A_169 = tpu.memref_slice %arg11[%dma_wait3A_167, %dma_wait3A_168] : memref<80x128xf32, #tpu.memory_space<vmem>> -> memref<64x128xf32, #tpu.memory_space<vmem>>
      %dma_wait3A_170 = arith.constant 0 : i32
      %dma_wait3A_171 = tpu.memref_slice %arg14[%add3A_32, %dma_wait3A_170] : memref<10240x128xf32, #tpu.memory_space<vmem_shared>> -> memref<64x128xf32, #tpu.memory_space<vmem_shared>>
      %dma_wait3A_172 = arith.constant 0 : i32
      %dma_wait3A_173 = tpu.memref_slice %arg14[%add3A_32, %dma_wait3A_172] : memref<10240x128xf32, #tpu.memory_space<vmem_shared>> -> memref<64x128xf32, #tpu.memory_space<vmem_shared>>
      %dma_wait3A_174 = arith.constant 0 : i32
      %dma_wait3A_175 = arith.constant 0 : i32
      %dma_wait3A_176 = tpu.memref_slice %arg11[%dma_wait3A_174, %dma_wait3A_175] : memref<80x128xf32, #tpu.memory_space<vmem>> -> memref<64x128xf32, #tpu.memory_space<vmem>>
      tpu.wait_dma2 semaphore(%run_scoped3A : memref<!tpu.dma_semaphore, #tpu.memory_space<semaphore_mem>>) src(%dma_wait3A_176 : memref<64x128xf32, #tpu.memory_space<vmem>>) dst(%dma_wait3A_173 : memref<64x128xf32, #tpu.memory_space<vmem_shared>>)
      tpu.yield
    }) : () -> ()
    %add3A_33 = arith.constant 512 : i32
    %add3A_34 = arith.addi %mul3A_16, %add3A_33 : i32
    "tpu.region"() ({
      %run_scoped3A = tpu.sem_alloc : memref<!tpu.dma_semaphore, #tpu.memory_space<semaphore_mem>>
      %dma_start3A_157 = arith.constant 0 : i32
      %dma_start3A_158 = arith.constant 0 : i32
      %dma_start3A_159 = tpu.memref_slice %arg11[%dma_start3A_157, %dma_start3A_158] : memref<80x128xf32, #tpu.memory_space<vmem>> -> memref<64x128xf32, #tpu.memory_space<vmem>>
      %dma_start3A_160 = arith.constant 0 : i32
      %dma_start3A_161 = tpu.memref_slice %arg14[%add3A_34, %dma_start3A_160] : memref<10240x128xf32, #tpu.memory_space<vmem_shared>> -> memref<64x128xf32, #tpu.memory_space<vmem_shared>>
      %dma_start3A_162 = arith.constant 0 : i32
      %dma_start3A_163 = tpu.memref_slice %arg14[%add3A_34, %dma_start3A_162] : memref<10240x128xf32, #tpu.memory_space<vmem_shared>> -> memref<64x128xf32, #tpu.memory_space<vmem_shared>>
      %dma_start3A_164 = arith.constant 0 : i32
      %dma_start3A_165 = arith.constant 0 : i32
      %dma_start3A_166 = tpu.memref_slice %arg11[%dma_start3A_164, %dma_start3A_165] : memref<80x128xf32, #tpu.memory_space<vmem>> -> memref<64x128xf32, #tpu.memory_space<vmem>>
      tpu.enqueue_dma source(%dma_start3A_166 : memref<64x128xf32, #tpu.memory_space<vmem>>) target(%dma_start3A_163 : memref<64x128xf32, #tpu.memory_space<vmem_shared>>) target_semaphore(%run_scoped3A : memref<!tpu.dma_semaphore, #tpu.memory_space<semaphore_mem>>)
      %dma_wait3A_167 = arith.constant 0 : i32
      %dma_wait3A_168 = arith.constant 0 : i32
      %dma_wait3A_169 = tpu.memref_slice %arg11[%dma_wait3A_167, %dma_wait3A_168] : memref<80x128xf32, #tpu.memory_space<vmem>> -> memref<64x128xf32, #tpu.memory_space<vmem>>
      %dma_wait3A_170 = arith.constant 0 : i32
      %dma_wait3A_171 = tpu.memref_slice %arg14[%add3A_34, %dma_wait3A_170] : memref<10240x128xf32, #tpu.memory_space<vmem_shared>> -> memref<64x128xf32, #tpu.memory_space<vmem_shared>>
      %dma_wait3A_172 = arith.constant 0 : i32
      %dma_wait3A_173 = tpu.memref_slice %arg14[%add3A_34, %dma_wait3A_172] : memref<10240x128xf32, #tpu.memory_space<vmem_shared>> -> memref<64x128xf32, #tpu.memory_space<vmem_shared>>
      %dma_wait3A_174 = arith.constant 0 : i32
      %dma_wait3A_175 = arith.constant 0 : i32
      %dma_wait3A_176 = tpu.memref_slice %arg11[%dma_wait3A_174, %dma_wait3A_175] : memref<80x128xf32, #tpu.memory_space<vmem>> -> memref<64x128xf32, #tpu.memory_space<vmem>>
      tpu.wait_dma2 semaphore(%run_scoped3A : memref<!tpu.dma_semaphore, #tpu.memory_space<semaphore_mem>>) src(%dma_wait3A_176 : memref<64x128xf32, #tpu.memory_space<vmem>>) dst(%dma_wait3A_173 : memref<64x128xf32, #tpu.memory_space<vmem_shared>>)
      tpu.yield
    }) : () -> ()
    %add3A_35 = arith.constant 576 : i32
    %add3A_36 = arith.addi %mul3A_16, %add3A_35 : i32
    "tpu.region"() ({
      %run_scoped3A = tpu.sem_alloc : memref<!tpu.dma_semaphore, #tpu.memory_space<semaphore_mem>>
      %dma_start3A_157 = arith.constant 0 : i32
      %dma_start3A_158 = arith.constant 0 : i32
      %dma_start3A_159 = tpu.memref_slice %arg11[%dma_start3A_157, %dma_start3A_158] : memref<80x128xf32, #tpu.memory_space<vmem>> -> memref<64x128xf32, #tpu.memory_space<vmem>>
      %dma_start3A_160 = arith.constant 0 : i32
      %dma_start3A_161 = tpu.memref_slice %arg14[%add3A_36, %dma_start3A_160] : memref<10240x128xf32, #tpu.memory_space<vmem_shared>> -> memref<64x128xf32, #tpu.memory_space<vmem_shared>>
      %dma_start3A_162 = arith.constant 0 : i32
      %dma_start3A_163 = tpu.memref_slice %arg14[%add3A_36, %dma_start3A_162] : memref<10240x128xf32, #tpu.memory_space<vmem_shared>> -> memref<64x128xf32, #tpu.memory_space<vmem_shared>>
      %dma_start3A_164 = arith.constant 0 : i32
      %dma_start3A_165 = arith.constant 0 : i32
      %dma_start3A_166 = tpu.memref_slice %arg11[%dma_start3A_164, %dma_start3A_165] : memref<80x128xf32, #tpu.memory_space<vmem>> -> memref<64x128xf32, #tpu.memory_space<vmem>>
      tpu.enqueue_dma source(%dma_start3A_166 : memref<64x128xf32, #tpu.memory_space<vmem>>) target(%dma_start3A_163 : memref<64x128xf32, #tpu.memory_space<vmem_shared>>) target_semaphore(%run_scoped3A : memref<!tpu.dma_semaphore, #tpu.memory_space<semaphore_mem>>)
      %dma_wait3A_167 = arith.constant 0 : i32
      %dma_wait3A_168 = arith.constant 0 : i32
      %dma_wait3A_169 = tpu.memref_slice %arg11[%dma_wait3A_167, %dma_wait3A_168] : memref<80x128xf32, #tpu.memory_space<vmem>> -> memref<64x128xf32, #tpu.memory_space<vmem>>
      %dma_wait3A_170 = arith.constant 0 : i32
      %dma_wait3A_171 = tpu.memref_slice %arg14[%add3A_36, %dma_wait3A_170] : memref<10240x128xf32, #tpu.memory_space<vmem_shared>> -> memref<64x128xf32, #tpu.memory_space<vmem_shared>>
      %dma_wait3A_172 = arith.constant 0 : i32
      %dma_wait3A_173 = tpu.memref_slice %arg14[%add3A_36, %dma_wait3A_172] : memref<10240x128xf32, #tpu.memory_space<vmem_shared>> -> memref<64x128xf32, #tpu.memory_space<vmem_shared>>
      %dma_wait3A_174 = arith.constant 0 : i32
      %dma_wait3A_175 = arith.constant 0 : i32
      %dma_wait3A_176 = tpu.memref_slice %arg11[%dma_wait3A_174, %dma_wait3A_175] : memref<80x128xf32, #tpu.memory_space<vmem>> -> memref<64x128xf32, #tpu.memory_space<vmem>>
      tpu.wait_dma2 semaphore(%run_scoped3A : memref<!tpu.dma_semaphore, #tpu.memory_space<semaphore_mem>>) src(%dma_wait3A_176 : memref<64x128xf32, #tpu.memory_space<vmem>>) dst(%dma_wait3A_173 : memref<64x128xf32, #tpu.memory_space<vmem_shared>>)
      tpu.yield
    }) : () -> ()
    %barrier3A = arith.constant 0 : index
    tpu.barrier barrier_id(%barrier3A)
    %mul3A_37 = arith.constant 10000 : i32
    %mul3A_38 = arith.muli %add3A, %mul3A_37 : i32
    %add3A_39 = arith.constant 0 : i32
    %add3A_40 = arith.addi %mul3A_38, %add3A_39 : i32
    %dma_start3A = tpu.memref_slice %arg2[%add3A_40] : memref<320000xi32, #tpu.memory_space<hbm>> -> memref<80xi32, #tpu.memory_space<hbm>>
    %dma_start3A_41 = tpu.memref_slice %arg2[%add3A_40] : memref<320000xi32, #tpu.memory_space<hbm>> -> memref<80xi32, #tpu.memory_space<hbm>>
    tpu.enqueue_dma source(%dma_start3A_41 : memref<80xi32, #tpu.memory_space<hbm>>) target(%arg7 : memref<80xi32, #tpu.memory_space<vmem>>) target_semaphore(%arg17 : memref<!tpu.dma_semaphore, #tpu.memory_space<semaphore_mem>>)
    %dma_start3A_42 = tpu.memref_slice %arg3[%add3A_40] : memref<320000xi32, #tpu.memory_space<hbm>> -> memref<80xi32, #tpu.memory_space<hbm>>
    %dma_start3A_43 = tpu.memref_slice %arg3[%add3A_40] : memref<320000xi32, #tpu.memory_space<hbm>> -> memref<80xi32, #tpu.memory_space<hbm>>
    tpu.enqueue_dma source(%dma_start3A_43 : memref<80xi32, #tpu.memory_space<hbm>>) target(%arg8 : memref<80xi32, #tpu.memory_space<vmem>>) target_semaphore(%arg17 : memref<!tpu.dma_semaphore, #tpu.memory_space<semaphore_mem>>)
    %dma_wait3A = arith.constant 0 : i32
    %dma_wait3A_44 = tpu.memref_slice %arg2[%dma_wait3A] : memref<320000xi32, #tpu.memory_space<hbm>> -> memref<80xi32, #tpu.memory_space<hbm>>
    %dma_wait3A_45 = arith.constant 0 : i32
    %dma_wait3A_46 = tpu.memref_slice %arg2[%dma_wait3A_45] : memref<320000xi32, #tpu.memory_space<hbm>> -> memref<80xi32, #tpu.memory_space<hbm>>
    tpu.wait_dma2 semaphore(%arg17 : memref<!tpu.dma_semaphore, #tpu.memory_space<semaphore_mem>>) src(%dma_wait3A_46 : memref<80xi32, #tpu.memory_space<hbm>>) dst(%arg7 : memref<80xi32, #tpu.memory_space<vmem>>)
    %dma_wait3A_47 = arith.constant 0 : i32
    %dma_wait3A_48 = tpu.memref_slice %arg3[%dma_wait3A_47] : memref<320000xi32, #tpu.memory_space<hbm>> -> memref<80xi32, #tpu.memory_space<hbm>>
    %dma_wait3A_49 = arith.constant 0 : i32
    %dma_wait3A_50 = tpu.memref_slice %arg3[%dma_wait3A_49] : memref<320000xi32, #tpu.memory_space<hbm>> -> memref<80xi32, #tpu.memory_space<hbm>>
    tpu.wait_dma2 semaphore(%arg17 : memref<!tpu.dma_semaphore, #tpu.memory_space<semaphore_mem>>) src(%dma_wait3A_50 : memref<80xi32, #tpu.memory_space<hbm>>) dst(%arg8 : memref<80xi32, #tpu.memory_space<vmem>>)
    %dma_start3A_51 = arith.constant 0 : i32
    %dma_start3A_52 = arith.constant 0 : i32
    %dma_start3A_53 = tpu.memref_slice %arg4[%dma_start3A_51, %dma_start3A_52] : memref<10000x128xf32, #tpu.memory_space<hbm>> -> memref<10000x128xf32, #tpu.memory_space<hbm>>
    tpu.enqueue_indirect_dma source(%dma_start3A_53 : memref<10000x128xf32, #tpu.memory_space<hbm>>) target(%arg11 : memref<80x128xf32, #tpu.memory_space<vmem>>) offsets(%arg7 : memref<80xi32, #tpu.memory_space<vmem>>) semaphore(%arg15 : memref<!tpu.dma_semaphore, #tpu.memory_space<semaphore_mem>>)
    %add3A_54 = arith.constant 80 : i32
    %add3A_55 = arith.addi %mul3A_38, %add3A_54 : i32
    %dma_start3A_56 = tpu.memref_slice %arg2[%add3A_55] : memref<320000xi32, #tpu.memory_space<hbm>> -> memref<80xi32, #tpu.memory_space<hbm>>
    %dma_start3A_57 = tpu.memref_slice %arg2[%add3A_55] : memref<320000xi32, #tpu.memory_space<hbm>> -> memref<80xi32, #tpu.memory_space<hbm>>
    tpu.enqueue_dma source(%dma_start3A_57 : memref<80xi32, #tpu.memory_space<hbm>>) target(%arg9 : memref<80xi32, #tpu.memory_space<vmem>>) target_semaphore(%arg18 : memref<!tpu.dma_semaphore, #tpu.memory_space<semaphore_mem>>)
    %dma_start3A_58 = tpu.memref_slice %arg3[%add3A_55] : memref<320000xi32, #tpu.memory_space<hbm>> -> memref<80xi32, #tpu.memory_space<hbm>>
    %dma_start3A_59 = tpu.memref_slice %arg3[%add3A_55] : memref<320000xi32, #tpu.memory_space<hbm>> -> memref<80xi32, #tpu.memory_space<hbm>>
    tpu.enqueue_dma source(%dma_start3A_59 : memref<80xi32, #tpu.memory_space<hbm>>) target(%arg10 : memref<80xi32, #tpu.memory_space<vmem>>) target_semaphore(%arg18 : memref<!tpu.dma_semaphore, #tpu.memory_space<semaphore_mem>>)
    %scan3A_60 = arith.constant 0 : i32
    %scan3A_61 = arith.constant 0 : i32
    %scan3A_62 = arith.constant 62 : i32
    %scan3A_63 = arith.addi %scan3A_61, %scan3A_62 : i32
    %scan3A_64 = arith.constant 1 : i32
    %scan3A_65 = scf.for %scan3A_157 = %scan3A_61 to %scan3A_63 step %scan3A_64 iter_args(%scan3A_158 = %scan3A_60) -> (i32)  : i32 {
      %mul3A_159 = arith.constant 2 : i32
      %mul3A_160 = arith.muli %mul3A_159, %scan3A_157 : i32
      %dma_wait3A_161 = arith.constant 0 : i32
      %dma_wait3A_162 = arith.constant 0 : i32
      %dma_wait3A_163 = tpu.memref_slice %arg4[%dma_wait3A_161, %dma_wait3A_162] : memref<10000x128xf32, #tpu.memory_space<hbm>> -> memref<10000x128xf32, #tpu.memory_space<hbm>>
      tpu.wait_indirect_dma semaphore(%arg15 : memref<!tpu.dma_semaphore, #tpu.memory_space<semaphore_mem>>) src(%dma_wait3A_163 : memref<10000x128xf32, #tpu.memory_space<hbm>>) dst(%arg11 : memref<80x128xf32, #tpu.memory_space<vmem>>)
      %dma_wait3A_164 = arith.constant 0 : i32
      %dma_wait3A_165 = tpu.memref_slice %arg2[%dma_wait3A_164] : memref<320000xi32, #tpu.memory_space<hbm>> -> memref<80xi32, #tpu.memory_space<hbm>>
      %dma_wait3A_166 = arith.constant 0 : i32
      %dma_wait3A_167 = tpu.memref_slice %arg2[%dma_wait3A_166] : memref<320000xi32, #tpu.memory_space<hbm>> -> memref<80xi32, #tpu.memory_space<hbm>>
      tpu.wait_dma2 semaphore(%arg18 : memref<!tpu.dma_semaphore, #tpu.memory_space<semaphore_mem>>) src(%dma_wait3A_167 : memref<80xi32, #tpu.memory_space<hbm>>) dst(%arg9 : memref<80xi32, #tpu.memory_space<vmem>>)
      %dma_wait3A_168 = arith.constant 0 : i32
      %dma_wait3A_169 = tpu.memref_slice %arg3[%dma_wait3A_168] : memref<320000xi32, #tpu.memory_space<hbm>> -> memref<80xi32, #tpu.memory_space<hbm>>
      %dma_wait3A_170 = arith.constant 0 : i32
      %dma_wait3A_171 = tpu.memref_slice %arg3[%dma_wait3A_170] : memref<320000xi32, #tpu.memory_space<hbm>> -> memref<80xi32, #tpu.memory_space<hbm>>
      tpu.wait_dma2 semaphore(%arg18 : memref<!tpu.dma_semaphore, #tpu.memory_space<semaphore_mem>>) src(%dma_wait3A_171 : memref<80xi32, #tpu.memory_space<hbm>>) dst(%arg10 : memref<80xi32, #tpu.memory_space<vmem>>)
      %ge3A = arith.constant 1 : i32
      %ge3A_172 = arith.cmpi sge, %mul3A_160, %ge3A : i32
      %convert_element_type3A_173 = arith.extui %ge3A_172 : i1 to i32
      %cond3A = arith.constant 0 : i32
      %cond3A_174 = arith.cmpi ne, %convert_element_type3A_173, %cond3A : i32
      scf.if %cond3A_174 {
        %dma_wait3A_290 = arith.constant 0 : i32
        %dma_wait3A_291 = arith.constant 0 : i32
        %dma_wait3A_292 = tpu.memref_slice %arg14[%dma_wait3A_290, %dma_wait3A_291] : memref<10240x128xf32, #tpu.memory_space<vmem_shared>> -> memref<10240x128xf32, #tpu.memory_space<vmem_shared>>
        tpu.wait_indirect_dma semaphore(%arg20 : memref<!tpu.dma_semaphore, #tpu.memory_space<semaphore_mem>>) src(%arg12 : memref<80x128xf32, #tpu.memory_space<vmem>>) dst(%dma_wait3A_292 : memref<10240x128xf32, #tpu.memory_space<vmem_shared>>)
      } else {
      }
      %dma_start3A_175 = arith.constant 0 : i32
      %dma_start3A_176 = arith.constant 0 : i32
      %dma_start3A_177 = tpu.memref_slice %arg4[%dma_start3A_175, %dma_start3A_176] : memref<10000x128xf32, #tpu.memory_space<hbm>> -> memref<10000x128xf32, #tpu.memory_space<hbm>>
      tpu.enqueue_indirect_dma source(%dma_start3A_177 : memref<10000x128xf32, #tpu.memory_space<hbm>>) target(%arg12 : memref<80x128xf32, #tpu.memory_space<vmem>>) offsets(%arg9 : memref<80xi32, #tpu.memory_space<vmem>>) semaphore(%arg16 : memref<!tpu.dma_semaphore, #tpu.memory_space<semaphore_mem>>)
      %dma_start3A_178 = arith.constant 0 : i32
      %dma_start3A_179 = arith.constant 0 : i32
      %dma_start3A_180 = tpu.memref_slice %arg14[%dma_start3A_178, %dma_start3A_179] : memref<10240x128xf32, #tpu.memory_space<vmem_shared>> -> memref<10240x128xf32, #tpu.memory_space<vmem_shared>>
      tpu.enqueue_indirect_dma source(%arg11 : memref<80x128xf32, #tpu.memory_space<vmem>>) target(%dma_start3A_180 : memref<10240x128xf32, #tpu.memory_space<vmem_shared>>) offsets(%arg8 : memref<80xi32, #tpu.memory_space<vmem>>) semaphore(%arg19 : memref<!tpu.dma_semaphore, #tpu.memory_space<semaphore_mem>>) {add = true}
      %get3A_181 = arith.constant 0 : index
      %get3A_182 = tpu.vector_load %arg8[%get3A_181] {strides = array<i32>} : memref<80xi32, #tpu.memory_space<vmem>>, vector<16xi32>,
      %broadcast_in_dim3A_183 = arith.constant true
      %broadcast_in_dim3A_184 = vector.broadcast %broadcast_in_dim3A_183 : i1 to vector<16xi1>
      %unique3A_185, %unique3A_186 = tpu.scan_count mask(%broadcast_in_dim3A_184 : vector<16xi1>) value(%get3A_182 : vector<16xi32>) : vector<16xi1>, vector<16xi32>
      %convert_element_type3A_187 = arith.sitofp %unique3A_186 : vector<16xi32> to vector<16xf32>
      tpu.vector_store_idx %arg13[%get3A_182], %convert_element_type3A_187 masked %unique3A_185 {add = true} : memref<10240xf32, #tpu.memory_space<vmem>>[vector<16xi32>], vector<16xf32>, vector<16xi1>
      %get3A_188 = arith.constant 16 : index
      %get3A_189 = tpu.vector_load %arg8[%get3A_188] {strides = array<i32>} : memref<80xi32, #tpu.memory_space<vmem>>, vector<16xi32>,
      %broadcast_in_dim3A_190 = arith.constant true
      %broadcast_in_dim3A_191 = vector.broadcast %broadcast_in_dim3A_190 : i1 to vector<16xi1>
      %unique3A_192, %unique3A_193 = tpu.scan_count mask(%broadcast_in_dim3A_191 : vector<16xi1>) value(%get3A_189 : vector<16xi32>) : vector<16xi1>, vector<16xi32>
      %convert_element_type3A_194 = arith.sitofp %unique3A_193 : vector<16xi32> to vector<16xf32>
      tpu.vector_store_idx %arg13[%get3A_189], %convert_element_type3A_194 masked %unique3A_192 {add = true} : memref<10240xf32, #tpu.memory_space<vmem>>[vector<16xi32>], vector<16xf32>, vector<16xi1>
      %get3A_195 = arith.constant 32 : index
      %get3A_196 = tpu.vector_load %arg8[%get3A_195] {strides = array<i32>} : memref<80xi32, #tpu.memory_space<vmem>>, vector<16xi32>,
      %broadcast_in_dim3A_197 = arith.constant true
      %broadcast_in_dim3A_198 = vector.broadcast %broadcast_in_dim3A_197 : i1 to vector<16xi1>
      %unique3A_199, %unique3A_200 = tpu.scan_count mask(%broadcast_in_dim3A_198 : vector<16xi1>) value(%get3A_196 : vector<16xi32>) : vector<16xi1>, vector<16xi32>
      %convert_element_type3A_201 = arith.sitofp %unique3A_200 : vector<16xi32> to vector<16xf32>
      tpu.vector_store_idx %arg13[%get3A_196], %convert_element_type3A_201 masked %unique3A_199 {add = true} : memref<10240xf32, #tpu.memory_space<vmem>>[vector<16xi32>], vector<16xf32>, vector<16xi1>
      %get3A_202 = arith.constant 48 : index
      %get3A_203 = tpu.vector_load %arg8[%get3A_202] {strides = array<i32>} : memref<80xi32, #tpu.memory_space<vmem>>, vector<16xi32>,
      %broadcast_in_dim3A_204 = arith.constant true
      %broadcast_in_dim3A_205 = vector.broadcast %broadcast_in_dim3A_204 : i1 to vector<16xi1>
      %unique3A_206, %unique3A_207 = tpu.scan_count mask(%broadcast_in_dim3A_205 : vector<16xi1>) value(%get3A_203 : vector<16xi32>) : vector<16xi1>, vector<16xi32>
      %convert_element_type3A_208 = arith.sitofp %unique3A_207 : vector<16xi32> to vector<16xf32>
      tpu.vector_store_idx %arg13[%get3A_203], %convert_element_type3A_208 masked %unique3A_206 {add = true} : memref<10240xf32, #tpu.memory_space<vmem>>[vector<16xi32>], vector<16xf32>, vector<16xi1>
      %get3A_209 = arith.constant 64 : index
      %get3A_210 = tpu.vector_load %arg8[%get3A_209] {strides = array<i32>} : memref<80xi32, #tpu.memory_space<vmem>>, vector<16xi32>,
      %broadcast_in_dim3A_211 = arith.constant true
      %broadcast_in_dim3A_212 = vector.broadcast %broadcast_in_dim3A_211 : i1 to vector<16xi1>
      %unique3A_213, %unique3A_214 = tpu.scan_count mask(%broadcast_in_dim3A_212 : vector<16xi1>) value(%get3A_210 : vector<16xi32>) : vector<16xi1>, vector<16xi32>
      %convert_element_type3A_215 = arith.sitofp %unique3A_214 : vector<16xi32> to vector<16xf32>
      tpu.vector_store_idx %arg13[%get3A_210], %convert_element_type3A_215 masked %unique3A_213 {add = true} : memref<10240xf32, #tpu.memory_space<vmem>>[vector<16xi32>], vector<16xf32>, vector<16xi1>
      %cond3A_216 = arith.constant 1 : i32
      %add3A_217 = arith.constant 2 : i32
      %add3A_218 = arith.addi %mul3A_160, %add3A_217 : i32
      %mul3A_219 = arith.constant 80 : i32
      %mul3A_220 = arith.muli %add3A_218, %mul3A_219 : i32
      %add3A_221 = arith.addi %mul3A_38, %mul3A_220 : i32
      %dma_start3A_222 = tpu.memref_slice %arg2[%add3A_221] : memref<320000xi32, #tpu.memory_space<hbm>> -> memref<80xi32, #tpu.memory_space<hbm>>
      %dma_start3A_223 = tpu.memref_slice %arg2[%add3A_221] : memref<320000xi32, #tpu.memory_space<hbm>> -> memref<80xi32, #tpu.memory_space<hbm>>
      tpu.enqueue_dma source(%dma_start3A_223 : memref<80xi32, #tpu.memory_space<hbm>>) target(%arg7 : memref<80xi32, #tpu.memory_space<vmem>>) target_semaphore(%arg17 : memref<!tpu.dma_semaphore, #tpu.memory_space<semaphore_mem>>)
      %dma_start3A_224 = tpu.memref_slice %arg3[%add3A_221] : memref<320000xi32, #tpu.memory_space<hbm>> -> memref<80xi32, #tpu.memory_space<hbm>>
      %dma_start3A_225 = tpu.memref_slice %arg3[%add3A_221] : memref<320000xi32, #tpu.memory_space<hbm>> -> memref<80xi32, #tpu.memory_space<hbm>>
      tpu.enqueue_dma source(%dma_start3A_225 : memref<80xi32, #tpu.memory_space<hbm>>) target(%arg8 : memref<80xi32, #tpu.memory_space<vmem>>) target_semaphore(%arg17 : memref<!tpu.dma_semaphore, #tpu.memory_space<semaphore_mem>>)
      %add3A_226 = arith.constant 1 : i32
      %add3A_227 = arith.addi %mul3A_160, %add3A_226 : i32
      %lt3A = arith.constant 61 : i32
      %lt3A_228 = arith.cmpi slt, %scan3A_157, %lt3A : i32
      %dma_wait3A_229 = arith.constant 0 : i32
      %dma_wait3A_230 = arith.constant 0 : i32
      %dma_wait3A_231 = tpu.memref_slice %arg4[%dma_wait3A_229, %dma_wait3A_230] : memref<10000x128xf32, #tpu.memory_space<hbm>> -> memref<10000x128xf32, #tpu.memory_space<hbm>>
      tpu.wait_indirect_dma semaphore(%arg16 : memref<!tpu.dma_semaphore, #tpu.memory_space<semaphore_mem>>) src(%dma_wait3A_231 : memref<10000x128xf32, #tpu.memory_space<hbm>>) dst(%arg12 : memref<80x128xf32, #tpu.memory_space<vmem>>)
      %dma_wait3A_232 = arith.constant 0 : i32
      %dma_wait3A_233 = tpu.memref_slice %arg2[%dma_wait3A_232] : memref<320000xi32, #tpu.memory_space<hbm>> -> memref<80xi32, #tpu.memory_space<hbm>>
      %dma_wait3A_234 = arith.constant 0 : i32
      %dma_wait3A_235 = tpu.memref_slice %arg2[%dma_wait3A_234] : memref<320000xi32, #tpu.memory_space<hbm>> -> memref<80xi32, #tpu.memory_space<hbm>>
      tpu.wait_dma2 semaphore(%arg17 : memref<!tpu.dma_semaphore, #tpu.memory_space<semaphore_mem>>) src(%dma_wait3A_235 : memref<80xi32, #tpu.memory_space<hbm>>) dst(%arg7 : memref<80xi32, #tpu.memory_space<vmem>>)
      %dma_wait3A_236 = arith.constant 0 : i32
      %dma_wait3A_237 = tpu.memref_slice %arg3[%dma_wait3A_236] : memref<320000xi32, #tpu.memory_space<hbm>> -> memref<80xi32, #tpu.memory_space<hbm>>
      %dma_wait3A_238 = arith.constant 0 : i32
      %dma_wait3A_239 = tpu.memref_slice %arg3[%dma_wait3A_238] : memref<320000xi32, #tpu.memory_space<hbm>> -> memref<80xi32, #tpu.memory_space<hbm>>
      tpu.wait_dma2 semaphore(%arg17 : memref<!tpu.dma_semaphore, #tpu.memory_space<semaphore_mem>>) src(%dma_wait3A_239 : memref<80xi32, #tpu.memory_space<hbm>>) dst(%arg8 : memref<80xi32, #tpu.memory_space<vmem>>)
      %ge3A_240 = arith.constant 1 : i32
      %ge3A_241 = arith.cmpi sge, %add3A_227, %ge3A_240 : i32
      %convert_element_type3A_242 = arith.extui %ge3A_241 : i1 to i32
      %cond3A_243 = arith.constant 0 : i32
      %cond3A_244 = arith.cmpi ne, %convert_element_type3A_242, %cond3A_243 : i32
      scf.if %cond3A_244 {
        %dma_wait3A_290 = arith.constant 0 : i32
        %dma_wait3A_291 = arith.constant 0 : i32
        %dma_wait3A_292 = tpu.memref_slice %arg14[%dma_wait3A_290, %dma_wait3A_291] : memref<10240x128xf32, #tpu.memory_space<vmem_shared>> -> memref<10240x128xf32, #tpu.memory_space<vmem_shared>>
        tpu.wait_indirect_dma semaphore(%arg19 : memref<!tpu.dma_semaphore, #tpu.memory_space<semaphore_mem>>) src(%arg11 : memref<80x128xf32, #tpu.memory_space<vmem>>) dst(%dma_wait3A_292 : memref<10240x128xf32, #tpu.memory_space<vmem_shared>>)
      } else {
      }
      %dma_start3A_245 = arith.constant 0 : i32
      %dma_start3A_246 = arith.constant 0 : i32
      %dma_start3A_247 = tpu.memref_slice %arg4[%dma_start3A_245, %dma_start3A_246] : memref<10000x128xf32, #tpu.memory_space<hbm>> -> memref<10000x128xf32, #tpu.memory_space<hbm>>
      tpu.enqueue_indirect_dma source(%dma_start3A_247 : memref<10000x128xf32, #tpu.memory_space<hbm>>) target(%arg11 : memref<80x128xf32, #tpu.memory_space<vmem>>) offsets(%arg7 : memref<80xi32, #tpu.memory_space<vmem>>) semaphore(%arg15 : memref<!tpu.dma_semaphore, #tpu.memory_space<semaphore_mem>>)
      %dma_start3A_248 = arith.constant 0 : i32
      %dma_start3A_249 = arith.constant 0 : i32
      %dma_start3A_250 = tpu.memref_slice %arg14[%dma_start3A_248, %dma_start3A_249] : memref<10240x128xf32, #tpu.memory_space<vmem_shared>> -> memref<10240x128xf32, #tpu.memory_space<vmem_shared>>
      tpu.enqueue_indirect_dma source(%arg12 : memref<80x128xf32, #tpu.memory_space<vmem>>) target(%dma_start3A_250 : memref<10240x128xf32, #tpu.memory_space<vmem_shared>>) offsets(%arg10 : memref<80xi32, #tpu.memory_space<vmem>>) semaphore(%arg20 : memref<!tpu.dma_semaphore, #tpu.memory_space<semaphore_mem>>) {add = true}
      %get3A_251 = arith.constant 0 : index
      %get3A_252 = tpu.vector_load %arg10[%get3A_251] {strides = array<i32>} : memref<80xi32, #tpu.memory_space<vmem>>, vector<16xi32>,
      %broadcast_in_dim3A_253 = arith.constant true
      %broadcast_in_dim3A_254 = vector.broadcast %broadcast_in_dim3A_253 : i1 to vector<16xi1>
      %unique3A_255, %unique3A_256 = tpu.scan_count mask(%broadcast_in_dim3A_254 : vector<16xi1>) value(%get3A_252 : vector<16xi32>) : vector<16xi1>, vector<16xi32>
      %convert_element_type3A_257 = arith.sitofp %unique3A_256 : vector<16xi32> to vector<16xf32>
      tpu.vector_store_idx %arg13[%get3A_252], %convert_element_type3A_257 masked %unique3A_255 {add = true} : memref<10240xf32, #tpu.memory_space<vmem>>[vector<16xi32>], vector<16xf32>, vector<16xi1>
      %get3A_258 = arith.constant 16 : index
      %get3A_259 = tpu.vector_load %arg10[%get3A_258] {strides = array<i32>} : memref<80xi32, #tpu.memory_space<vmem>>, vector<16xi32>,
      %broadcast_in_dim3A_260 = arith.constant true
      %broadcast_in_dim3A_261 = vector.broadcast %broadcast_in_dim3A_260 : i1 to vector<16xi1>
      %unique3A_262, %unique3A_263 = tpu.scan_count mask(%broadcast_in_dim3A_261 : vector<16xi1>) value(%get3A_259 : vector<16xi32>) : vector<16xi1>, vector<16xi32>
      %convert_element_type3A_264 = arith.sitofp %unique3A_263 : vector<16xi32> to vector<16xf32>
      tpu.vector_store_idx %arg13[%get3A_259], %convert_element_type3A_264 masked %unique3A_262 {add = true} : memref<10240xf32, #tpu.memory_space<vmem>>[vector<16xi32>], vector<16xf32>, vector<16xi1>
      %get3A_265 = arith.constant 32 : index
      %get3A_266 = tpu.vector_load %arg10[%get3A_265] {strides = array<i32>} : memref<80xi32, #tpu.memory_space<vmem>>, vector<16xi32>,
      %broadcast_in_dim3A_267 = arith.constant true
      %broadcast_in_dim3A_268 = vector.broadcast %broadcast_in_dim3A_267 : i1 to vector<16xi1>
      %unique3A_269, %unique3A_270 = tpu.scan_count mask(%broadcast_in_dim3A_268 : vector<16xi1>) value(%get3A_266 : vector<16xi32>) : vector<16xi1>, vector<16xi32>
      %convert_element_type3A_271 = arith.sitofp %unique3A_270 : vector<16xi32> to vector<16xf32>
      tpu.vector_store_idx %arg13[%get3A_266], %convert_element_type3A_271 masked %unique3A_269 {add = true} : memref<10240xf32, #tpu.memory_space<vmem>>[vector<16xi32>], vector<16xf32>, vector<16xi1>
      %get3A_272 = arith.constant 48 : index
      %get3A_273 = tpu.vector_load %arg10[%get3A_272] {strides = array<i32>} : memref<80xi32, #tpu.memory_space<vmem>>, vector<16xi32>,
      %broadcast_in_dim3A_274 = arith.constant true
      %broadcast_in_dim3A_275 = vector.broadcast %broadcast_in_dim3A_274 : i1 to vector<16xi1>
      %unique3A_276, %unique3A_277 = tpu.scan_count mask(%broadcast_in_dim3A_275 : vector<16xi1>) value(%get3A_273 : vector<16xi32>) : vector<16xi1>, vector<16xi32>
      %convert_element_type3A_278 = arith.sitofp %unique3A_277 : vector<16xi32> to vector<16xf32>
      tpu.vector_store_idx %arg13[%get3A_273], %convert_element_type3A_278 masked %unique3A_276 {add = true} : memref<10240xf32, #tpu.memory_space<vmem>>[vector<16xi32>], vector<16xf32>, vector<16xi1>
      %get3A_279 = arith.constant 64 : index
      %get3A_280 = tpu.vector_load %arg10[%get3A_279] {strides = array<i32>} : memref<80xi32, #tpu.memory_space<vmem>>, vector<16xi32>,
      %broadcast_in_dim3A_281 = arith.constant true
      %broadcast_in_dim3A_282 = vector.broadcast %broadcast_in_dim3A_281 : i1 to vector<16xi1>
      %unique3A_283, %unique3A_284 = tpu.scan_count mask(%broadcast_in_dim3A_282 : vector<16xi1>) value(%get3A_280 : vector<16xi32>) : vector<16xi1>, vector<16xi32>
      %convert_element_type3A_285 = arith.sitofp %unique3A_284 : vector<16xi32> to vector<16xf32>
      tpu.vector_store_idx %arg13[%get3A_280], %convert_element_type3A_285 masked %unique3A_283 {add = true} : memref<10240xf32, #tpu.memory_space<vmem>>[vector<16xi32>], vector<16xf32>, vector<16xi1>
      %convert_element_type3A_286 = arith.extui %lt3A_228 : i1 to i32
      %cond3A_287 = arith.constant 0 : i32
      %cond3A_288 = arith.cmpi ne, %convert_element_type3A_286, %cond3A_287 : i32
      scf.if %cond3A_288 {
        %add3A_290 = arith.constant 2 : i32
        %add3A_291 = arith.addi %add3A_227, %add3A_290 : i32
        %mul3A_292 = arith.constant 80 : i32
        %mul3A_293 = arith.muli %add3A_291, %mul3A_292 : i32
        %add3A_294 = arith.addi %mul3A_38, %mul3A_293 : i32
        %dma_start3A_295 = tpu.memref_slice %arg2[%add3A_294] : memref<320000xi32, #tpu.memory_space<hbm>> -> memref<80xi32, #tpu.memory_space<hbm>>
        %dma_start3A_296 = tpu.memref_slice %arg2[%add3A_294] : memref<320000xi32, #tpu.memory_space<hbm>> -> memref<80xi32, #tpu.memory_space<hbm>>
        tpu.enqueue_dma source(%dma_start3A_296 : memref<80xi32, #tpu.memory_space<hbm>>) target(%arg9 : memref<80xi32, #tpu.memory_space<vmem>>) target_semaphore(%arg18 : memref<!tpu.dma_semaphore, #tpu.memory_space<semaphore_mem>>)
        %dma_start3A_297 = tpu.memref_slice %arg3[%add3A_294] : memref<320000xi32, #tpu.memory_space<hbm>> -> memref<80xi32, #tpu.memory_space<hbm>>
        %dma_start3A_298 = tpu.memref_slice %arg3[%add3A_294] : memref<320000xi32, #tpu.memory_space<hbm>> -> memref<80xi32, #tpu.memory_space<hbm>>
        tpu.enqueue_dma source(%dma_start3A_298 : memref<80xi32, #tpu.memory_space<hbm>>) target(%arg10 : memref<80xi32, #tpu.memory_space<vmem>>) target_semaphore(%arg18 : memref<!tpu.dma_semaphore, #tpu.memory_space<semaphore_mem>>)
      } else {
      }
      %scan3A_289 = arith.constant 0 : i32
      scf.yield %scan3A_289 : i32
    }
    %scan3A_66 = arith.constant 62 : i32
    %dma_wait3A_67 = arith.constant 0 : i32
    %dma_wait3A_68 = arith.constant 0 : i32
    %dma_wait3A_69 = tpu.memref_slice %arg4[%dma_wait3A_67, %dma_wait3A_68] : memref<10000x128xf32, #tpu.memory_space<hbm>> -> memref<10000x128xf32, #tpu.memory_space<hbm>>
    tpu.wait_indirect_dma semaphore(%arg15 : memref<!tpu.dma_semaphore, #tpu.memory_space<semaphore_mem>>) src(%dma_wait3A_69 : memref<10000x128xf32, #tpu.memory_space<hbm>>) dst(%arg11 : memref<80x128xf32, #tpu.memory_space<vmem>>)
    %dma_start3A_70 = arith.constant 0 : i32
    %dma_start3A_71 = arith.constant 0 : i32
    %dma_start3A_72 = tpu.memref_slice %arg14[%dma_start3A_70, %dma_start3A_71] : memref<10240x128xf32, #tpu.memory_space<vmem_shared>> -> memref<10240x128xf32, #tpu.memory_space<vmem_shared>>
    tpu.enqueue_indirect_dma source(%arg11 : memref<80x128xf32, #tpu.memory_space<vmem>>) target(%dma_start3A_72 : memref<10240x128xf32, #tpu.memory_space<vmem_shared>>) offsets(%arg8 : memref<80xi32, #tpu.memory_space<vmem>>) semaphore(%arg19 : memref<!tpu.dma_semaphore, #tpu.memory_space<semaphore_mem>>) {add = true}
    %get3A = arith.constant 0 : index
    %get3A_73 = tpu.vector_load %arg8[%get3A] {strides = array<i32>} : memref<80xi32, #tpu.memory_space<vmem>>, vector<16xi32>,
    %broadcast_in_dim3A_74 = arith.constant true
    %broadcast_in_dim3A_75 = vector.broadcast %broadcast_in_dim3A_74 : i1 to vector<16xi1>
    %unique3A, %unique3A_76 = tpu.scan_count mask(%broadcast_in_dim3A_75 : vector<16xi1>) value(%get3A_73 : vector<16xi32>) : vector<16xi1>, vector<16xi32>
    %convert_element_type3A = arith.sitofp %unique3A_76 : vector<16xi32> to vector<16xf32>
    tpu.vector_store_idx %arg13[%get3A_73], %convert_element_type3A masked %unique3A {add = true} : memref<10240xf32, #tpu.memory_space<vmem>>[vector<16xi32>], vector<16xf32>, vector<16xi1>
    %get3A_77 = arith.constant 16 : index
    %get3A_78 = tpu.vector_load %arg8[%get3A_77] {strides = array<i32>} : memref<80xi32, #tpu.memory_space<vmem>>, vector<16xi32>,
    %broadcast_in_dim3A_79 = arith.constant true
    %broadcast_in_dim3A_80 = vector.broadcast %broadcast_in_dim3A_79 : i1 to vector<16xi1>
    %unique3A_81, %unique3A_82 = tpu.scan_count mask(%broadcast_in_dim3A_80 : vector<16xi1>) value(%get3A_78 : vector<16xi32>) : vector<16xi1>, vector<16xi32>
    %convert_element_type3A_83 = arith.sitofp %unique3A_82 : vector<16xi32> to vector<16xf32>
    tpu.vector_store_idx %arg13[%get3A_78], %convert_element_type3A_83 masked %unique3A_81 {add = true} : memref<10240xf32, #tpu.memory_space<vmem>>[vector<16xi32>], vector<16xf32>, vector<16xi1>
    %get3A_84 = arith.constant 32 : index
    %get3A_85 = tpu.vector_load %arg8[%get3A_84] {strides = array<i32>} : memref<80xi32, #tpu.memory_space<vmem>>, vector<16xi32>,
    %broadcast_in_dim3A_86 = arith.constant true
    %broadcast_in_dim3A_87 = vector.broadcast %broadcast_in_dim3A_86 : i1 to vector<16xi1>
    %unique3A_88, %unique3A_89 = tpu.scan_count mask(%broadcast_in_dim3A_87 : vector<16xi1>) value(%get3A_85 : vector<16xi32>) : vector<16xi1>, vector<16xi32>
    %convert_element_type3A_90 = arith.sitofp %unique3A_89 : vector<16xi32> to vector<16xf32>
    tpu.vector_store_idx %arg13[%get3A_85], %convert_element_type3A_90 masked %unique3A_88 {add = true} : memref<10240xf32, #tpu.memory_space<vmem>>[vector<16xi32>], vector<16xf32>, vector<16xi1>
    %get3A_91 = arith.constant 48 : index
    %get3A_92 = tpu.vector_load %arg8[%get3A_91] {strides = array<i32>} : memref<80xi32, #tpu.memory_space<vmem>>, vector<16xi32>,
    %broadcast_in_dim3A_93 = arith.constant true
    %broadcast_in_dim3A_94 = vector.broadcast %broadcast_in_dim3A_93 : i1 to vector<16xi1>
    %unique3A_95, %unique3A_96 = tpu.scan_count mask(%broadcast_in_dim3A_94 : vector<16xi1>) value(%get3A_92 : vector<16xi32>) : vector<16xi1>, vector<16xi32>
    %convert_element_type3A_97 = arith.sitofp %unique3A_96 : vector<16xi32> to vector<16xf32>
    tpu.vector_store_idx %arg13[%get3A_92], %convert_element_type3A_97 masked %unique3A_95 {add = true} : memref<10240xf32, #tpu.memory_space<vmem>>[vector<16xi32>], vector<16xf32>, vector<16xi1>
    %get3A_98 = arith.constant 64 : index
    %get3A_99 = tpu.vector_load %arg8[%get3A_98] {strides = array<i32>} : memref<80xi32, #tpu.memory_space<vmem>>, vector<16xi32>,
    %broadcast_in_dim3A_100 = arith.constant true
    %broadcast_in_dim3A_101 = vector.broadcast %broadcast_in_dim3A_100 : i1 to vector<16xi1>
    %unique3A_102, %unique3A_103 = tpu.scan_count mask(%broadcast_in_dim3A_101 : vector<16xi1>) value(%get3A_99 : vector<16xi32>) : vector<16xi1>, vector<16xi32>
    %convert_element_type3A_104 = arith.sitofp %unique3A_103 : vector<16xi32> to vector<16xf32>
    tpu.vector_store_idx %arg13[%get3A_99], %convert_element_type3A_104 masked %unique3A_102 {add = true} : memref<10240xf32, #tpu.memory_space<vmem>>[vector<16xi32>], vector<16xf32>, vector<16xi1>
    %dma_wait3A_105 = arith.constant 0 : i32
    %dma_wait3A_106 = arith.constant 0 : i32
    %dma_wait3A_107 = tpu.memref_slice %arg14[%dma_wait3A_105, %dma_wait3A_106] : memref<10240x128xf32, #tpu.memory_space<vmem_shared>> -> memref<10240x128xf32, #tpu.memory_space<vmem_shared>>
    tpu.wait_indirect_dma semaphore(%arg20 : memref<!tpu.dma_semaphore, #tpu.memory_space<semaphore_mem>>) src(%arg12 : memref<80x128xf32, #tpu.memory_space<vmem>>) dst(%dma_wait3A_107 : memref<10240x128xf32, #tpu.memory_space<vmem_shared>>)
    %dma_wait3A_108 = arith.constant 0 : i32
    %dma_wait3A_109 = arith.constant 0 : i32
    %dma_wait3A_110 = tpu.memref_slice %arg14[%dma_wait3A_108, %dma_wait3A_109] : memref<10240x128xf32, #tpu.memory_space<vmem_shared>> -> memref<10240x128xf32, #tpu.memory_space<vmem_shared>>
    tpu.wait_indirect_dma semaphore(%arg19 : memref<!tpu.dma_semaphore, #tpu.memory_space<semaphore_mem>>) src(%arg11 : memref<80x128xf32, #tpu.memory_space<vmem>>) dst(%dma_wait3A_110 : memref<10240x128xf32, #tpu.memory_space<vmem_shared>>)
    %barrier3A_111 = arith.constant 0 : index
    tpu.barrier barrier_id(%barrier3A_111)
    %mul3A_112 = arith.constant 10240 : i32
    %mul3A_113 = arith.muli %arg0, %mul3A_112 : i32
    %add3A_114 = arith.addi %mul3A_113, %mul3A_16 : i32
    %add3A_115 = arith.constant 0 : i32
    %add3A_116 = arith.addi %mul3A_16, %add3A_115 : i32
    "tpu.region"() ({
      %run_scoped3A = tpu.sem_alloc : memref<!tpu.dma_semaphore, #tpu.memory_space<semaphore_mem>>
      %dma_start3A_157 = arith.constant 0 : i32
      %dma_start3A_158 = arith.constant 0 : i32
      %dma_start3A_159 = tpu.memref_slice %arg11[%dma_start3A_157, %dma_start3A_158] : memref<80x128xf32, #tpu.memory_space<vmem>> -> memref<64x128xf32, #tpu.memory_space<vmem>>
      %dma_start3A_160 = arith.constant 0 : i32
      %dma_start3A_161 = tpu.memref_slice %arg14[%add3A_116, %dma_start3A_160] : memref<10240x128xf32, #tpu.memory_space<vmem_shared>> -> memref<64x128xf32, #tpu.memory_space<vmem_shared>>
      %dma_start3A_162 = arith.constant 0 : i32
      %dma_start3A_163 = arith.constant 0 : i32
      %dma_start3A_164 = tpu.memref_slice %arg11[%dma_start3A_162, %dma_start3A_163] : memref<80x128xf32, #tpu.memory_space<vmem>> -> memref<64x128xf32, #tpu.memory_space<vmem>>
      %dma_start3A_165 = arith.constant 0 : i32
      %dma_start3A_166 = tpu.memref_slice %arg14[%add3A_116, %dma_start3A_165] : memref<10240x128xf32, #tpu.memory_space<vmem_shared>> -> memref<64x128xf32, #tpu.memory_space<vmem_shared>>
      tpu.enqueue_dma source(%dma_start3A_166 : memref<64x128xf32, #tpu.memory_space<vmem_shared>>) target(%dma_start3A_164 : memref<64x128xf32, #tpu.memory_space<vmem>>) target_semaphore(%run_scoped3A : memref<!tpu.dma_semaphore, #tpu.memory_space<semaphore_mem>>)
      %dma_wait3A_167 = arith.constant 0 : i32
      %dma_wait3A_168 = arith.constant 0 : i32
      %dma_wait3A_169 = tpu.memref_slice %arg11[%dma_wait3A_167, %dma_wait3A_168] : memref<80x128xf32, #tpu.memory_space<vmem>> -> memref<64x128xf32, #tpu.memory_space<vmem>>
      %dma_wait3A_170 = arith.constant 0 : i32
      %dma_wait3A_171 = tpu.memref_slice %arg14[%add3A_116, %dma_wait3A_170] : memref<10240x128xf32, #tpu.memory_space<vmem_shared>> -> memref<64x128xf32, #tpu.memory_space<vmem_shared>>
      %dma_wait3A_172 = arith.constant 0 : i32
      %dma_wait3A_173 = arith.constant 0 : i32
      %dma_wait3A_174 = tpu.memref_slice %arg11[%dma_wait3A_172, %dma_wait3A_173] : memref<80x128xf32, #tpu.memory_space<vmem>> -> memref<64x128xf32, #tpu.memory_space<vmem>>
      %dma_wait3A_175 = arith.constant 0 : i32
      %dma_wait3A_176 = tpu.memref_slice %arg14[%add3A_116, %dma_wait3A_175] : memref<10240x128xf32, #tpu.memory_space<vmem_shared>> -> memref<64x128xf32, #tpu.memory_space<vmem_shared>>
      tpu.wait_dma2 semaphore(%run_scoped3A : memref<!tpu.dma_semaphore, #tpu.memory_space<semaphore_mem>>) src(%dma_wait3A_176 : memref<64x128xf32, #tpu.memory_space<vmem_shared>>) dst(%dma_wait3A_174 : memref<64x128xf32, #tpu.memory_space<vmem>>)
      tpu.yield
    }) : () -> ()
    %add3A_117 = arith.constant 0 : i32
    %add3A_118 = arith.addi %add3A_114, %add3A_117 : i32
    "tpu.region"() ({
      %run_scoped3A = tpu.sem_alloc : memref<!tpu.dma_semaphore, #tpu.memory_space<semaphore_mem>>
      %dma_start3A_157 = arith.constant 0 : i32
      %dma_start3A_158 = arith.constant 0 : i32
      %dma_start3A_159 = tpu.memref_slice %arg11[%dma_start3A_157, %dma_start3A_158] : memref<80x128xf32, #tpu.memory_space<vmem>> -> memref<64x128xf32, #tpu.memory_space<vmem>>
      %dma_start3A_160 = arith.constant 0 : i32
      %dma_start3A_161 = tpu.memref_slice %arg5[%add3A_118, %dma_start3A_160] : memref<20480x128xf32, #tpu.memory_space<hbm>> -> memref<64x128xf32, #tpu.memory_space<hbm>>
      %dma_start3A_162 = arith.constant 0 : i32
      %dma_start3A_163 = tpu.memref_slice %arg5[%add3A_118, %dma_start3A_162] : memref<20480x128xf32, #tpu.memory_space<hbm>> -> memref<64x128xf32, #tpu.memory_space<hbm>>
      %dma_start3A_164 = arith.constant 0 : i32
      %dma_start3A_165 = arith.constant 0 : i32
      %dma_start3A_166 = tpu.memref_slice %arg11[%dma_start3A_164, %dma_start3A_165] : memref<80x128xf32, #tpu.memory_space<vmem>> -> memref<64x128xf32, #tpu.memory_space<vmem>>
      tpu.enqueue_dma source(%dma_start3A_166 : memref<64x128xf32, #tpu.memory_space<vmem>>) target(%dma_start3A_163 : memref<64x128xf32, #tpu.memory_space<hbm>>) target_semaphore(%run_scoped3A : memref<!tpu.dma_semaphore, #tpu.memory_space<semaphore_mem>>)
      %dma_wait3A_167 = arith.constant 0 : i32
      %dma_wait3A_168 = arith.constant 0 : i32
      %dma_wait3A_169 = tpu.memref_slice %arg11[%dma_wait3A_167, %dma_wait3A_168] : memref<80x128xf32, #tpu.memory_space<vmem>> -> memref<64x128xf32, #tpu.memory_space<vmem>>
      %dma_wait3A_170 = arith.constant 0 : i32
      %dma_wait3A_171 = tpu.memref_slice %arg5[%add3A_118, %dma_wait3A_170] : memref<20480x128xf32, #tpu.memory_space<hbm>> -> memref<64x128xf32, #tpu.memory_space<hbm>>
      %dma_wait3A_172 = arith.constant 0 : i32
      %dma_wait3A_173 = tpu.memref_slice %arg5[%add3A_118, %dma_wait3A_172] : memref<20480x128xf32, #tpu.memory_space<hbm>> -> memref<64x128xf32, #tpu.memory_space<hbm>>
      %dma_wait3A_174 = arith.constant 0 : i32
      %dma_wait3A_175 = arith.constant 0 : i32
      %dma_wait3A_176 = tpu.memref_slice %arg11[%dma_wait3A_174, %dma_wait3A_175] : memref<80x128xf32, #tpu.memory_space<vmem>> -> memref<64x128xf32, #tpu.memory_space<vmem>>
      tpu.wait_dma2 semaphore(%run_scoped3A : memref<!tpu.dma_semaphore, #tpu.memory_space<semaphore_mem>>) src(%dma_wait3A_176 : memref<64x128xf32, #tpu.memory_space<vmem>>) dst(%dma_wait3A_173 : memref<64x128xf32, #tpu.memory_space<hbm>>)
      tpu.yield
    }) : () -> ()
    %add3A_119 = arith.constant 64 : i32
    %add3A_120 = arith.addi %mul3A_16, %add3A_119 : i32
    "tpu.region"() ({
      %run_scoped3A = tpu.sem_alloc : memref<!tpu.dma_semaphore, #tpu.memory_space<semaphore_mem>>
      %dma_start3A_157 = arith.constant 0 : i32
      %dma_start3A_158 = arith.constant 0 : i32
      %dma_start3A_159 = tpu.memref_slice %arg11[%dma_start3A_157, %dma_start3A_158] : memref<80x128xf32, #tpu.memory_space<vmem>> -> memref<64x128xf32, #tpu.memory_space<vmem>>
      %dma_start3A_160 = arith.constant 0 : i32
      %dma_start3A_161 = tpu.memref_slice %arg14[%add3A_120, %dma_start3A_160] : memref<10240x128xf32, #tpu.memory_space<vmem_shared>> -> memref<64x128xf32, #tpu.memory_space<vmem_shared>>
      %dma_start3A_162 = arith.constant 0 : i32
      %dma_start3A_163 = arith.constant 0 : i32
      %dma_start3A_164 = tpu.memref_slice %arg11[%dma_start3A_162, %dma_start3A_163] : memref<80x128xf32, #tpu.memory_space<vmem>> -> memref<64x128xf32, #tpu.memory_space<vmem>>
      %dma_start3A_165 = arith.constant 0 : i32
      %dma_start3A_166 = tpu.memref_slice %arg14[%add3A_120, %dma_start3A_165] : memref<10240x128xf32, #tpu.memory_space<vmem_shared>> -> memref<64x128xf32, #tpu.memory_space<vmem_shared>>
      tpu.enqueue_dma source(%dma_start3A_166 : memref<64x128xf32, #tpu.memory_space<vmem_shared>>) target(%dma_start3A_164 : memref<64x128xf32, #tpu.memory_space<vmem>>) target_semaphore(%run_scoped3A : memref<!tpu.dma_semaphore, #tpu.memory_space<semaphore_mem>>)
      %dma_wait3A_167 = arith.constant 0 : i32
      %dma_wait3A_168 = arith.constant 0 : i32
      %dma_wait3A_169 = tpu.memref_slice %arg11[%dma_wait3A_167, %dma_wait3A_168] : memref<80x128xf32, #tpu.memory_space<vmem>> -> memref<64x128xf32, #tpu.memory_space<vmem>>
      %dma_wait3A_170 = arith.constant 0 : i32
      %dma_wait3A_171 = tpu.memref_slice %arg14[%add3A_120, %dma_wait3A_170] : memref<10240x128xf32, #tpu.memory_space<vmem_shared>> -> memref<64x128xf32, #tpu.memory_space<vmem_shared>>
      %dma_wait3A_172 = arith.constant 0 : i32
      %dma_wait3A_173 = arith.constant 0 : i32
      %dma_wait3A_174 = tpu.memref_slice %arg11[%dma_wait3A_172, %dma_wait3A_173] : memref<80x128xf32, #tpu.memory_space<vmem>> -> memref<64x128xf32, #tpu.memory_space<vmem>>
      %dma_wait3A_175 = arith.constant 0 : i32
      %dma_wait3A_176 = tpu.memref_slice %arg14[%add3A_120, %dma_wait3A_175] : memref<10240x128xf32, #tpu.memory_space<vmem_shared>> -> memref<64x128xf32, #tpu.memory_space<vmem_shared>>
      tpu.wait_dma2 semaphore(%run_scoped3A : memref<!tpu.dma_semaphore, #tpu.memory_space<semaphore_mem>>) src(%dma_wait3A_176 : memref<64x128xf32, #tpu.memory_space<vmem_shared>>) dst(%dma_wait3A_174 : memref<64x128xf32, #tpu.memory_space<vmem>>)
      tpu.yield
    }) : () -> ()
    %add3A_121 = arith.constant 64 : i32
    %add3A_122 = arith.addi %add3A_114, %add3A_121 : i32
    "tpu.region"() ({
      %run_scoped3A = tpu.sem_alloc : memref<!tpu.dma_semaphore, #tpu.memory_space<semaphore_mem>>
      %dma_start3A_157 = arith.constant 0 : i32
      %dma_start3A_158 = arith.constant 0 : i32
      %dma_start3A_159 = tpu.memref_slice %arg11[%dma_start3A_157, %dma_start3A_158] : memref<80x128xf32, #tpu.memory_space<vmem>> -> memref<64x128xf32, #tpu.memory_space<vmem>>
      %dma_start3A_160 = arith.constant 0 : i32
      %dma_start3A_161 = tpu.memref_slice %arg5[%add3A_122, %dma_start3A_160] : memref<20480x128xf32, #tpu.memory_space<hbm>> -> memref<64x128xf32, #tpu.memory_space<hbm>>
      %dma_start3A_162 = arith.constant 0 : i32
      %dma_start3A_163 = tpu.memref_slice %arg5[%add3A_122, %dma_start3A_162] : memref<20480x128xf32, #tpu.memory_space<hbm>> -> memref<64x128xf32, #tpu.memory_space<hbm>>
      %dma_start3A_164 = arith.constant 0 : i32
      %dma_start3A_165 = arith.constant 0 : i32
      %dma_start3A_166 = tpu.memref_slice %arg11[%dma_start3A_164, %dma_start3A_165] : memref<80x128xf32, #tpu.memory_space<vmem>> -> memref<64x128xf32, #tpu.memory_space<vmem>>
      tpu.enqueue_dma source(%dma_start3A_166 : memref<64x128xf32, #tpu.memory_space<vmem>>) target(%dma_start3A_163 : memref<64x128xf32, #tpu.memory_space<hbm>>) target_semaphore(%run_scoped3A : memref<!tpu.dma_semaphore, #tpu.memory_space<semaphore_mem>>)
      %dma_wait3A_167 = arith.constant 0 : i32
      %dma_wait3A_168 = arith.constant 0 : i32
      %dma_wait3A_169 = tpu.memref_slice %arg11[%dma_wait3A_167, %dma_wait3A_168] : memref<80x128xf32, #tpu.memory_space<vmem>> -> memref<64x128xf32, #tpu.memory_space<vmem>>
      %dma_wait3A_170 = arith.constant 0 : i32
      %dma_wait3A_171 = tpu.memref_slice %arg5[%add3A_122, %dma_wait3A_170] : memref<20480x128xf32, #tpu.memory_space<hbm>> -> memref<64x128xf32, #tpu.memory_space<hbm>>
      %dma_wait3A_172 = arith.constant 0 : i32
      %dma_wait3A_173 = tpu.memref_slice %arg5[%add3A_122, %dma_wait3A_172] : memref<20480x128xf32, #tpu.memory_space<hbm>> -> memref<64x128xf32, #tpu.memory_space<hbm>>
      %dma_wait3A_174 = arith.constant 0 : i32
      %dma_wait3A_175 = arith.constant 0 : i32
      %dma_wait3A_176 = tpu.memref_slice %arg11[%dma_wait3A_174, %dma_wait3A_175] : memref<80x128xf32, #tpu.memory_space<vmem>> -> memref<64x128xf32, #tpu.memory_space<vmem>>
      tpu.wait_dma2 semaphore(%run_scoped3A : memref<!tpu.dma_semaphore, #tpu.memory_space<semaphore_mem>>) src(%dma_wait3A_176 : memref<64x128xf32, #tpu.memory_space<vmem>>) dst(%dma_wait3A_173 : memref<64x128xf32, #tpu.memory_space<hbm>>)
      tpu.yield
    }) : () -> ()
    %add3A_123 = arith.constant 128 : i32
    %add3A_124 = arith.addi %mul3A_16, %add3A_123 : i32
    "tpu.region"() ({
      %run_scoped3A = tpu.sem_alloc : memref<!tpu.dma_semaphore, #tpu.memory_space<semaphore_mem>>
      %dma_start3A_157 = arith.constant 0 : i32
      %dma_start3A_158 = arith.constant 0 : i32
      %dma_start3A_159 = tpu.memref_slice %arg11[%dma_start3A_157, %dma_start3A_158] : memref<80x128xf32, #tpu.memory_space<vmem>> -> memref<64x128xf32, #tpu.memory_space<vmem>>
      %dma_start3A_160 = arith.constant 0 : i32
      %dma_start3A_161 = tpu.memref_slice %arg14[%add3A_124, %dma_start3A_160] : memref<10240x128xf32, #tpu.memory_space<vmem_shared>> -> memref<64x128xf32, #tpu.memory_space<vmem_shared>>
      %dma_start3A_162 = arith.constant 0 : i32
      %dma_start3A_163 = arith.constant 0 : i32
      %dma_start3A_164 = tpu.memref_slice %arg11[%dma_start3A_162, %dma_start3A_163] : memref<80x128xf32, #tpu.memory_space<vmem>> -> memref<64x128xf32, #tpu.memory_space<vmem>>
      %dma_start3A_165 = arith.constant 0 : i32
      %dma_start3A_166 = tpu.memref_slice %arg14[%add3A_124, %dma_start3A_165] : memref<10240x128xf32, #tpu.memory_space<vmem_shared>> -> memref<64x128xf32, #tpu.memory_space<vmem_shared>>
      tpu.enqueue_dma source(%dma_start3A_166 : memref<64x128xf32, #tpu.memory_space<vmem_shared>>) target(%dma_start3A_164 : memref<64x128xf32, #tpu.memory_space<vmem>>) target_semaphore(%run_scoped3A : memref<!tpu.dma_semaphore, #tpu.memory_space<semaphore_mem>>)
      %dma_wait3A_167 = arith.constant 0 : i32
      %dma_wait3A_168 = arith.constant 0 : i32
      %dma_wait3A_169 = tpu.memref_slice %arg11[%dma_wait3A_167, %dma_wait3A_168] : memref<80x128xf32, #tpu.memory_space<vmem>> -> memref<64x128xf32, #tpu.memory_space<vmem>>
      %dma_wait3A_170 = arith.constant 0 : i32
      %dma_wait3A_171 = tpu.memref_slice %arg14[%add3A_124, %dma_wait3A_170] : memref<10240x128xf32, #tpu.memory_space<vmem_shared>> -> memref<64x128xf32, #tpu.memory_space<vmem_shared>>
      %dma_wait3A_172 = arith.constant 0 : i32
      %dma_wait3A_173 = arith.constant 0 : i32
      %dma_wait3A_174 = tpu.memref_slice %arg11[%dma_wait3A_172, %dma_wait3A_173] : memref<80x128xf32, #tpu.memory_space<vmem>> -> memref<64x128xf32, #tpu.memory_space<vmem>>
      %dma_wait3A_175 = arith.constant 0 : i32
      %dma_wait3A_176 = tpu.memref_slice %arg14[%add3A_124, %dma_wait3A_175] : memref<10240x128xf32, #tpu.memory_space<vmem_shared>> -> memref<64x128xf32, #tpu.memory_space<vmem_shared>>
      tpu.wait_dma2 semaphore(%run_scoped3A : memref<!tpu.dma_semaphore, #tpu.memory_space<semaphore_mem>>) src(%dma_wait3A_176 : memref<64x128xf32, #tpu.memory_space<vmem_shared>>) dst(%dma_wait3A_174 : memref<64x128xf32, #tpu.memory_space<vmem>>)
      tpu.yield
    }) : () -> ()
    %add3A_125 = arith.constant 128 : i32
    %add3A_126 = arith.addi %add3A_114, %add3A_125 : i32
    "tpu.region"() ({
      %run_scoped3A = tpu.sem_alloc : memref<!tpu.dma_semaphore, #tpu.memory_space<semaphore_mem>>
      %dma_start3A_157 = arith.constant 0 : i32
      %dma_start3A_158 = arith.constant 0 : i32
      %dma_start3A_159 = tpu.memref_slice %arg11[%dma_start3A_157, %dma_start3A_158] : memref<80x128xf32, #tpu.memory_space<vmem>> -> memref<64x128xf32, #tpu.memory_space<vmem>>
      %dma_start3A_160 = arith.constant 0 : i32
      %dma_start3A_161 = tpu.memref_slice %arg5[%add3A_126, %dma_start3A_160] : memref<20480x128xf32, #tpu.memory_space<hbm>> -> memref<64x128xf32, #tpu.memory_space<hbm>>
      %dma_start3A_162 = arith.constant 0 : i32
      %dma_start3A_163 = tpu.memref_slice %arg5[%add3A_126, %dma_start3A_162] : memref<20480x128xf32, #tpu.memory_space<hbm>> -> memref<64x128xf32, #tpu.memory_space<hbm>>
      %dma_start3A_164 = arith.constant 0 : i32
      %dma_start3A_165 = arith.constant 0 : i32
      %dma_start3A_166 = tpu.memref_slice %arg11[%dma_start3A_164, %dma_start3A_165] : memref<80x128xf32, #tpu.memory_space<vmem>> -> memref<64x128xf32, #tpu.memory_space<vmem>>
      tpu.enqueue_dma source(%dma_start3A_166 : memref<64x128xf32, #tpu.memory_space<vmem>>) target(%dma_start3A_163 : memref<64x128xf32, #tpu.memory_space<hbm>>) target_semaphore(%run_scoped3A : memref<!tpu.dma_semaphore, #tpu.memory_space<semaphore_mem>>)
      %dma_wait3A_167 = arith.constant 0 : i32
      %dma_wait3A_168 = arith.constant 0 : i32
      %dma_wait3A_169 = tpu.memref_slice %arg11[%dma_wait3A_167, %dma_wait3A_168] : memref<80x128xf32, #tpu.memory_space<vmem>> -> memref<64x128xf32, #tpu.memory_space<vmem>>
      %dma_wait3A_170 = arith.constant 0 : i32
      %dma_wait3A_171 = tpu.memref_slice %arg5[%add3A_126, %dma_wait3A_170] : memref<20480x128xf32, #tpu.memory_space<hbm>> -> memref<64x128xf32, #tpu.memory_space<hbm>>
      %dma_wait3A_172 = arith.constant 0 : i32
      %dma_wait3A_173 = tpu.memref_slice %arg5[%add3A_126, %dma_wait3A_172] : memref<20480x128xf32, #tpu.memory_space<hbm>> -> memref<64x128xf32, #tpu.memory_space<hbm>>
      %dma_wait3A_174 = arith.constant 0 : i32
      %dma_wait3A_175 = arith.constant 0 : i32
      %dma_wait3A_176 = tpu.memref_slice %arg11[%dma_wait3A_174, %dma_wait3A_175] : memref<80x128xf32, #tpu.memory_space<vmem>> -> memref<64x128xf32, #tpu.memory_space<vmem>>
      tpu.wait_dma2 semaphore(%run_scoped3A : memref<!tpu.dma_semaphore, #tpu.memory_space<semaphore_mem>>) src(%dma_wait3A_176 : memref<64x128xf32, #tpu.memory_space<vmem>>) dst(%dma_wait3A_173 : memref<64x128xf32, #tpu.memory_space<hbm>>)
      tpu.yield
    }) : () -> ()
    %add3A_127 = arith.constant 192 : i32
    %add3A_128 = arith.addi %mul3A_16, %add3A_127 : i32
    "tpu.region"() ({
      %run_scoped3A = tpu.sem_alloc : memref<!tpu.dma_semaphore, #tpu.memory_space<semaphore_mem>>
      %dma_start3A_157 = arith.constant 0 : i32
      %dma_start3A_158 = arith.constant 0 : i32
      %dma_start3A_159 = tpu.memref_slice %arg11[%dma_start3A_157, %dma_start3A_158] : memref<80x128xf32, #tpu.memory_space<vmem>> -> memref<64x128xf32, #tpu.memory_space<vmem>>
      %dma_start3A_160 = arith.constant 0 : i32
      %dma_start3A_161 = tpu.memref_slice %arg14[%add3A_128, %dma_start3A_160] : memref<10240x128xf32, #tpu.memory_space<vmem_shared>> -> memref<64x128xf32, #tpu.memory_space<vmem_shared>>
      %dma_start3A_162 = arith.constant 0 : i32
      %dma_start3A_163 = arith.constant 0 : i32
      %dma_start3A_164 = tpu.memref_slice %arg11[%dma_start3A_162, %dma_start3A_163] : memref<80x128xf32, #tpu.memory_space<vmem>> -> memref<64x128xf32, #tpu.memory_space<vmem>>
      %dma_start3A_165 = arith.constant 0 : i32
      %dma_start3A_166 = tpu.memref_slice %arg14[%add3A_128, %dma_start3A_165] : memref<10240x128xf32, #tpu.memory_space<vmem_shared>> -> memref<64x128xf32, #tpu.memory_space<vmem_shared>>
      tpu.enqueue_dma source(%dma_start3A_166 : memref<64x128xf32, #tpu.memory_space<vmem_shared>>) target(%dma_start3A_164 : memref<64x128xf32, #tpu.memory_space<vmem>>) target_semaphore(%run_scoped3A : memref<!tpu.dma_semaphore, #tpu.memory_space<semaphore_mem>>)
      %dma_wait3A_167 = arith.constant 0 : i32
      %dma_wait3A_168 = arith.constant 0 : i32
      %dma_wait3A_169 = tpu.memref_slice %arg11[%dma_wait3A_167, %dma_wait3A_168] : memref<80x128xf32, #tpu.memory_space<vmem>> -> memref<64x128xf32, #tpu.memory_space<vmem>>
      %dma_wait3A_170 = arith.constant 0 : i32
      %dma_wait3A_171 = tpu.memref_slice %arg14[%add3A_128, %dma_wait3A_170] : memref<10240x128xf32, #tpu.memory_space<vmem_shared>> -> memref<64x128xf32, #tpu.memory_space<vmem_shared>>
      %dma_wait3A_172 = arith.constant 0 : i32
      %dma_wait3A_173 = arith.constant 0 : i32
      %dma_wait3A_174 = tpu.memref_slice %arg11[%dma_wait3A_172, %dma_wait3A_173] : memref<80x128xf32, #tpu.memory_space<vmem>> -> memref<64x128xf32, #tpu.memory_space<vmem>>
      %dma_wait3A_175 = arith.constant 0 : i32
      %dma_wait3A_176 = tpu.memref_slice %arg14[%add3A_128, %dma_wait3A_175] : memref<10240x128xf32, #tpu.memory_space<vmem_shared>> -> memref<64x128xf32, #tpu.memory_space<vmem_shared>>
      tpu.wait_dma2 semaphore(%run_scoped3A : memref<!tpu.dma_semaphore, #tpu.memory_space<semaphore_mem>>) src(%dma_wait3A_176 : memref<64x128xf32, #tpu.memory_space<vmem_shared>>) dst(%dma_wait3A_174 : memref<64x128xf32, #tpu.memory_space<vmem>>)
      tpu.yield
    }) : () -> ()
    %add3A_129 = arith.constant 192 : i32
    %add3A_130 = arith.addi %add3A_114, %add3A_129 : i32
    "tpu.region"() ({
      %run_scoped3A = tpu.sem_alloc : memref<!tpu.dma_semaphore, #tpu.memory_space<semaphore_mem>>
      %dma_start3A_157 = arith.constant 0 : i32
      %dma_start3A_158 = arith.constant 0 : i32
      %dma_start3A_159 = tpu.memref_slice %arg11[%dma_start3A_157, %dma_start3A_158] : memref<80x128xf32, #tpu.memory_space<vmem>> -> memref<64x128xf32, #tpu.memory_space<vmem>>
      %dma_start3A_160 = arith.constant 0 : i32
      %dma_start3A_161 = tpu.memref_slice %arg5[%add3A_130, %dma_start3A_160] : memref<20480x128xf32, #tpu.memory_space<hbm>> -> memref<64x128xf32, #tpu.memory_space<hbm>>
      %dma_start3A_162 = arith.constant 0 : i32
      %dma_start3A_163 = tpu.memref_slice %arg5[%add3A_130, %dma_start3A_162] : memref<20480x128xf32, #tpu.memory_space<hbm>> -> memref<64x128xf32, #tpu.memory_space<hbm>>
      %dma_start3A_164 = arith.constant 0 : i32
      %dma_start3A_165 = arith.constant 0 : i32
      %dma_start3A_166 = tpu.memref_slice %arg11[%dma_start3A_164, %dma_start3A_165] : memref<80x128xf32, #tpu.memory_space<vmem>> -> memref<64x128xf32, #tpu.memory_space<vmem>>
      tpu.enqueue_dma source(%dma_start3A_166 : memref<64x128xf32, #tpu.memory_space<vmem>>) target(%dma_start3A_163 : memref<64x128xf32, #tpu.memory_space<hbm>>) target_semaphore(%run_scoped3A : memref<!tpu.dma_semaphore, #tpu.memory_space<semaphore_mem>>)
      %dma_wait3A_167 = arith.constant 0 : i32
      %dma_wait3A_168 = arith.constant 0 : i32
      %dma_wait3A_169 = tpu.memref_slice %arg11[%dma_wait3A_167, %dma_wait3A_168] : memref<80x128xf32, #tpu.memory_space<vmem>> -> memref<64x128xf32, #tpu.memory_space<vmem>>
      %dma_wait3A_170 = arith.constant 0 : i32
      %dma_wait3A_171 = tpu.memref_slice %arg5[%add3A_130, %dma_wait3A_170] : memref<20480x128xf32, #tpu.memory_space<hbm>> -> memref<64x128xf32, #tpu.memory_space<hbm>>
      %dma_wait3A_172 = arith.constant 0 : i32
      %dma_wait3A_173 = tpu.memref_slice %arg5[%add3A_130, %dma_wait3A_172] : memref<20480x128xf32, #tpu.memory_space<hbm>> -> memref<64x128xf32, #tpu.memory_space<hbm>>
      %dma_wait3A_174 = arith.constant 0 : i32
      %dma_wait3A_175 = arith.constant 0 : i32
      %dma_wait3A_176 = tpu.memref_slice %arg11[%dma_wait3A_174, %dma_wait3A_175] : memref<80x128xf32, #tpu.memory_space<vmem>> -> memref<64x128xf32, #tpu.memory_space<vmem>>
      tpu.wait_dma2 semaphore(%run_scoped3A : memref<!tpu.dma_semaphore, #tpu.memory_space<semaphore_mem>>) src(%dma_wait3A_176 : memref<64x128xf32, #tpu.memory_space<vmem>>) dst(%dma_wait3A_173 : memref<64x128xf32, #tpu.memory_space<hbm>>)
      tpu.yield
    }) : () -> ()
    %add3A_131 = arith.constant 256 : i32
    %add3A_132 = arith.addi %mul3A_16, %add3A_131 : i32
    "tpu.region"() ({
      %run_scoped3A = tpu.sem_alloc : memref<!tpu.dma_semaphore, #tpu.memory_space<semaphore_mem>>
      %dma_start3A_157 = arith.constant 0 : i32
      %dma_start3A_158 = arith.constant 0 : i32
      %dma_start3A_159 = tpu.memref_slice %arg11[%dma_start3A_157, %dma_start3A_158] : memref<80x128xf32, #tpu.memory_space<vmem>> -> memref<64x128xf32, #tpu.memory_space<vmem>>
      %dma_start3A_160 = arith.constant 0 : i32
      %dma_start3A_161 = tpu.memref_slice %arg14[%add3A_132, %dma_start3A_160] : memref<10240x128xf32, #tpu.memory_space<vmem_shared>> -> memref<64x128xf32, #tpu.memory_space<vmem_shared>>
      %dma_start3A_162 = arith.constant 0 : i32
      %dma_start3A_163 = arith.constant 0 : i32
      %dma_start3A_164 = tpu.memref_slice %arg11[%dma_start3A_162, %dma_start3A_163] : memref<80x128xf32, #tpu.memory_space<vmem>> -> memref<64x128xf32, #tpu.memory_space<vmem>>
      %dma_start3A_165 = arith.constant 0 : i32
      %dma_start3A_166 = tpu.memref_slice %arg14[%add3A_132, %dma_start3A_165] : memref<10240x128xf32, #tpu.memory_space<vmem_shared>> -> memref<64x128xf32, #tpu.memory_space<vmem_shared>>
      tpu.enqueue_dma source(%dma_start3A_166 : memref<64x128xf32, #tpu.memory_space<vmem_shared>>) target(%dma_start3A_164 : memref<64x128xf32, #tpu.memory_space<vmem>>) target_semaphore(%run_scoped3A : memref<!tpu.dma_semaphore, #tpu.memory_space<semaphore_mem>>)
      %dma_wait3A_167 = arith.constant 0 : i32
      %dma_wait3A_168 = arith.constant 0 : i32
      %dma_wait3A_169 = tpu.memref_slice %arg11[%dma_wait3A_167, %dma_wait3A_168] : memref<80x128xf32, #tpu.memory_space<vmem>> -> memref<64x128xf32, #tpu.memory_space<vmem>>
      %dma_wait3A_170 = arith.constant 0 : i32
      %dma_wait3A_171 = tpu.memref_slice %arg14[%add3A_132, %dma_wait3A_170] : memref<10240x128xf32, #tpu.memory_space<vmem_shared>> -> memref<64x128xf32, #tpu.memory_space<vmem_shared>>
      %dma_wait3A_172 = arith.constant 0 : i32
      %dma_wait3A_173 = arith.constant 0 : i32
      %dma_wait3A_174 = tpu.memref_slice %arg11[%dma_wait3A_172, %dma_wait3A_173] : memref<80x128xf32, #tpu.memory_space<vmem>> -> memref<64x128xf32, #tpu.memory_space<vmem>>
      %dma_wait3A_175 = arith.constant 0 : i32
      %dma_wait3A_176 = tpu.memref_slice %arg14[%add3A_132, %dma_wait3A_175] : memref<10240x128xf32, #tpu.memory_space<vmem_shared>> -> memref<64x128xf32, #tpu.memory_space<vmem_shared>>
      tpu.wait_dma2 semaphore(%run_scoped3A : memref<!tpu.dma_semaphore, #tpu.memory_space<semaphore_mem>>) src(%dma_wait3A_176 : memref<64x128xf32, #tpu.memory_space<vmem_shared>>) dst(%dma_wait3A_174 : memref<64x128xf32, #tpu.memory_space<vmem>>)
      tpu.yield
    }) : () -> ()
    %add3A_133 = arith.constant 256 : i32
    %add3A_134 = arith.addi %add3A_114, %add3A_133 : i32
    "tpu.region"() ({
      %run_scoped3A = tpu.sem_alloc : memref<!tpu.dma_semaphore, #tpu.memory_space<semaphore_mem>>
      %dma_start3A_157 = arith.constant 0 : i32
      %dma_start3A_158 = arith.constant 0 : i32
      %dma_start3A_159 = tpu.memref_slice %arg11[%dma_start3A_157, %dma_start3A_158] : memref<80x128xf32, #tpu.memory_space<vmem>> -> memref<64x128xf32, #tpu.memory_space<vmem>>
      %dma_start3A_160 = arith.constant 0 : i32
      %dma_start3A_161 = tpu.memref_slice %arg5[%add3A_134, %dma_start3A_160] : memref<20480x128xf32, #tpu.memory_space<hbm>> -> memref<64x128xf32, #tpu.memory_space<hbm>>
      %dma_start3A_162 = arith.constant 0 : i32
      %dma_start3A_163 = tpu.memref_slice %arg5[%add3A_134, %dma_start3A_162] : memref<20480x128xf32, #tpu.memory_space<hbm>> -> memref<64x128xf32, #tpu.memory_space<hbm>>
      %dma_start3A_164 = arith.constant 0 : i32
      %dma_start3A_165 = arith.constant 0 : i32
      %dma_start3A_166 = tpu.memref_slice %arg11[%dma_start3A_164, %dma_start3A_165] : memref<80x128xf32, #tpu.memory_space<vmem>> -> memref<64x128xf32, #tpu.memory_space<vmem>>
      tpu.enqueue_dma source(%dma_start3A_166 : memref<64x128xf32, #tpu.memory_space<vmem>>) target(%dma_start3A_163 : memref<64x128xf32, #tpu.memory_space<hbm>>) target_semaphore(%run_scoped3A : memref<!tpu.dma_semaphore, #tpu.memory_space<semaphore_mem>>)
      %dma_wait3A_167 = arith.constant 0 : i32
      %dma_wait3A_168 = arith.constant 0 : i32
      %dma_wait3A_169 = tpu.memref_slice %arg11[%dma_wait3A_167, %dma_wait3A_168] : memref<80x128xf32, #tpu.memory_space<vmem>> -> memref<64x128xf32, #tpu.memory_space<vmem>>
      %dma_wait3A_170 = arith.constant 0 : i32
      %dma_wait3A_171 = tpu.memref_slice %arg5[%add3A_134, %dma_wait3A_170] : memref<20480x128xf32, #tpu.memory_space<hbm>> -> memref<64x128xf32, #tpu.memory_space<hbm>>
      %dma_wait3A_172 = arith.constant 0 : i32
      %dma_wait3A_173 = tpu.memref_slice %arg5[%add3A_134, %dma_wait3A_172] : memref<20480x128xf32, #tpu.memory_space<hbm>> -> memref<64x128xf32, #tpu.memory_space<hbm>>
      %dma_wait3A_174 = arith.constant 0 : i32
      %dma_wait3A_175 = arith.constant 0 : i32
      %dma_wait3A_176 = tpu.memref_slice %arg11[%dma_wait3A_174, %dma_wait3A_175] : memref<80x128xf32, #tpu.memory_space<vmem>> -> memref<64x128xf32, #tpu.memory_space<vmem>>
      tpu.wait_dma2 semaphore(%run_scoped3A : memref<!tpu.dma_semaphore, #tpu.memory_space<semaphore_mem>>) src(%dma_wait3A_176 : memref<64x128xf32, #tpu.memory_space<vmem>>) dst(%dma_wait3A_173 : memref<64x128xf32, #tpu.memory_space<hbm>>)
      tpu.yield
    }) : () -> ()
    %add3A_135 = arith.constant 320 : i32
    %add3A_136 = arith.addi %mul3A_16, %add3A_135 : i32
    "tpu.region"() ({
      %run_scoped3A = tpu.sem_alloc : memref<!tpu.dma_semaphore, #tpu.memory_space<semaphore_mem>>
      %dma_start3A_157 = arith.constant 0 : i32
      %dma_start3A_158 = arith.constant 0 : i32
      %dma_start3A_159 = tpu.memref_slice %arg11[%dma_start3A_157, %dma_start3A_158] : memref<80x128xf32, #tpu.memory_space<vmem>> -> memref<64x128xf32, #tpu.memory_space<vmem>>
      %dma_start3A_160 = arith.constant 0 : i32
      %dma_start3A_161 = tpu.memref_slice %arg14[%add3A_136, %dma_start3A_160] : memref<10240x128xf32, #tpu.memory_space<vmem_shared>> -> memref<64x128xf32, #tpu.memory_space<vmem_shared>>
      %dma_start3A_162 = arith.constant 0 : i32
      %dma_start3A_163 = arith.constant 0 : i32
      %dma_start3A_164 = tpu.memref_slice %arg11[%dma_start3A_162, %dma_start3A_163] : memref<80x128xf32, #tpu.memory_space<vmem>> -> memref<64x128xf32, #tpu.memory_space<vmem>>
      %dma_start3A_165 = arith.constant 0 : i32
      %dma_start3A_166 = tpu.memref_slice %arg14[%add3A_136, %dma_start3A_165] : memref<10240x128xf32, #tpu.memory_space<vmem_shared>> -> memref<64x128xf32, #tpu.memory_space<vmem_shared>>
      tpu.enqueue_dma source(%dma_start3A_166 : memref<64x128xf32, #tpu.memory_space<vmem_shared>>) target(%dma_start3A_164 : memref<64x128xf32, #tpu.memory_space<vmem>>) target_semaphore(%run_scoped3A : memref<!tpu.dma_semaphore, #tpu.memory_space<semaphore_mem>>)
      %dma_wait3A_167 = arith.constant 0 : i32
      %dma_wait3A_168 = arith.constant 0 : i32
      %dma_wait3A_169 = tpu.memref_slice %arg11[%dma_wait3A_167, %dma_wait3A_168] : memref<80x128xf32, #tpu.memory_space<vmem>> -> memref<64x128xf32, #tpu.memory_space<vmem>>
      %dma_wait3A_170 = arith.constant 0 : i32
      %dma_wait3A_171 = tpu.memref_slice %arg14[%add3A_136, %dma_wait3A_170] : memref<10240x128xf32, #tpu.memory_space<vmem_shared>> -> memref<64x128xf32, #tpu.memory_space<vmem_shared>>
      %dma_wait3A_172 = arith.constant 0 : i32
      %dma_wait3A_173 = arith.constant 0 : i32
      %dma_wait3A_174 = tpu.memref_slice %arg11[%dma_wait3A_172, %dma_wait3A_173] : memref<80x128xf32, #tpu.memory_space<vmem>> -> memref<64x128xf32, #tpu.memory_space<vmem>>
      %dma_wait3A_175 = arith.constant 0 : i32
      %dma_wait3A_176 = tpu.memref_slice %arg14[%add3A_136, %dma_wait3A_175] : memref<10240x128xf32, #tpu.memory_space<vmem_shared>> -> memref<64x128xf32, #tpu.memory_space<vmem_shared>>
      tpu.wait_dma2 semaphore(%run_scoped3A : memref<!tpu.dma_semaphore, #tpu.memory_space<semaphore_mem>>) src(%dma_wait3A_176 : memref<64x128xf32, #tpu.memory_space<vmem_shared>>) dst(%dma_wait3A_174 : memref<64x128xf32, #tpu.memory_space<vmem>>)
      tpu.yield
    }) : () -> ()
    %add3A_137 = arith.constant 320 : i32
    %add3A_138 = arith.addi %add3A_114, %add3A_137 : i32
    "tpu.region"() ({
      %run_scoped3A = tpu.sem_alloc : memref<!tpu.dma_semaphore, #tpu.memory_space<semaphore_mem>>
      %dma_start3A_157 = arith.constant 0 : i32
      %dma_start3A_158 = arith.constant 0 : i32
      %dma_start3A_159 = tpu.memref_slice %arg11[%dma_start3A_157, %dma_start3A_158] : memref<80x128xf32, #tpu.memory_space<vmem>> -> memref<64x128xf32, #tpu.memory_space<vmem>>
      %dma_start3A_160 = arith.constant 0 : i32
      %dma_start3A_161 = tpu.memref_slice %arg5[%add3A_138, %dma_start3A_160] : memref<20480x128xf32, #tpu.memory_space<hbm>> -> memref<64x128xf32, #tpu.memory_space<hbm>>
      %dma_start3A_162 = arith.constant 0 : i32
      %dma_start3A_163 = tpu.memref_slice %arg5[%add3A_138, %dma_start3A_162] : memref<20480x128xf32, #tpu.memory_space<hbm>> -> memref<64x128xf32, #tpu.memory_space<hbm>>
      %dma_start3A_164 = arith.constant 0 : i32
      %dma_start3A_165 = arith.constant 0 : i32
      %dma_start3A_166 = tpu.memref_slice %arg11[%dma_start3A_164, %dma_start3A_165] : memref<80x128xf32, #tpu.memory_space<vmem>> -> memref<64x128xf32, #tpu.memory_space<vmem>>
      tpu.enqueue_dma source(%dma_start3A_166 : memref<64x128xf32, #tpu.memory_space<vmem>>) target(%dma_start3A_163 : memref<64x128xf32, #tpu.memory_space<hbm>>) target_semaphore(%run_scoped3A : memref<!tpu.dma_semaphore, #tpu.memory_space<semaphore_mem>>)
      %dma_wait3A_167 = arith.constant 0 : i32
      %dma_wait3A_168 = arith.constant 0 : i32
      %dma_wait3A_169 = tpu.memref_slice %arg11[%dma_wait3A_167, %dma_wait3A_168] : memref<80x128xf32, #tpu.memory_space<vmem>> -> memref<64x128xf32, #tpu.memory_space<vmem>>
      %dma_wait3A_170 = arith.constant 0 : i32
      %dma_wait3A_171 = tpu.memref_slice %arg5[%add3A_138, %dma_wait3A_170] : memref<20480x128xf32, #tpu.memory_space<hbm>> -> memref<64x128xf32, #tpu.memory_space<hbm>>
      %dma_wait3A_172 = arith.constant 0 : i32
      %dma_wait3A_173 = tpu.memref_slice %arg5[%add3A_138, %dma_wait3A_172] : memref<20480x128xf32, #tpu.memory_space<hbm>> -> memref<64x128xf32, #tpu.memory_space<hbm>>
      %dma_wait3A_174 = arith.constant 0 : i32
      %dma_wait3A_175 = arith.constant 0 : i32
      %dma_wait3A_176 = tpu.memref_slice %arg11[%dma_wait3A_174, %dma_wait3A_175] : memref<80x128xf32, #tpu.memory_space<vmem>> -> memref<64x128xf32, #tpu.memory_space<vmem>>
      tpu.wait_dma2 semaphore(%run_scoped3A : memref<!tpu.dma_semaphore, #tpu.memory_space<semaphore_mem>>) src(%dma_wait3A_176 : memref<64x128xf32, #tpu.memory_space<vmem>>) dst(%dma_wait3A_173 : memref<64x128xf32, #tpu.memory_space<hbm>>)
      tpu.yield
    }) : () -> ()
    %add3A_139 = arith.constant 384 : i32
    %add3A_140 = arith.addi %mul3A_16, %add3A_139 : i32
    "tpu.region"() ({
      %run_scoped3A = tpu.sem_alloc : memref<!tpu.dma_semaphore, #tpu.memory_space<semaphore_mem>>
      %dma_start3A_157 = arith.constant 0 : i32
      %dma_start3A_158 = arith.constant 0 : i32
      %dma_start3A_159 = tpu.memref_slice %arg11[%dma_start3A_157, %dma_start3A_158] : memref<80x128xf32, #tpu.memory_space<vmem>> -> memref<64x128xf32, #tpu.memory_space<vmem>>
      %dma_start3A_160 = arith.constant 0 : i32
      %dma_start3A_161 = tpu.memref_slice %arg14[%add3A_140, %dma_start3A_160] : memref<10240x128xf32, #tpu.memory_space<vmem_shared>> -> memref<64x128xf32, #tpu.memory_space<vmem_shared>>
      %dma_start3A_162 = arith.constant 0 : i32
      %dma_start3A_163 = arith.constant 0 : i32
      %dma_start3A_164 = tpu.memref_slice %arg11[%dma_start3A_162, %dma_start3A_163] : memref<80x128xf32, #tpu.memory_space<vmem>> -> memref<64x128xf32, #tpu.memory_space<vmem>>
      %dma_start3A_165 = arith.constant 0 : i32
      %dma_start3A_166 = tpu.memref_slice %arg14[%add3A_140, %dma_start3A_165] : memref<10240x128xf32, #tpu.memory_space<vmem_shared>> -> memref<64x128xf32, #tpu.memory_space<vmem_shared>>
      tpu.enqueue_dma source(%dma_start3A_166 : memref<64x128xf32, #tpu.memory_space<vmem_shared>>) target(%dma_start3A_164 : memref<64x128xf32, #tpu.memory_space<vmem>>) target_semaphore(%run_scoped3A : memref<!tpu.dma_semaphore, #tpu.memory_space<semaphore_mem>>)
      %dma_wait3A_167 = arith.constant 0 : i32
      %dma_wait3A_168 = arith.constant 0 : i32
      %dma_wait3A_169 = tpu.memref_slice %arg11[%dma_wait3A_167, %dma_wait3A_168] : memref<80x128xf32, #tpu.memory_space<vmem>> -> memref<64x128xf32, #tpu.memory_space<vmem>>
      %dma_wait3A_170 = arith.constant 0 : i32
      %dma_wait3A_171 = tpu.memref_slice %arg14[%add3A_140, %dma_wait3A_170] : memref<10240x128xf32, #tpu.memory_space<vmem_shared>> -> memref<64x128xf32, #tpu.memory_space<vmem_shared>>
      %dma_wait3A_172 = arith.constant 0 : i32
      %dma_wait3A_173 = arith.constant 0 : i32
      %dma_wait3A_174 = tpu.memref_slice %arg11[%dma_wait3A_172, %dma_wait3A_173] : memref<80x128xf32, #tpu.memory_space<vmem>> -> memref<64x128xf32, #tpu.memory_space<vmem>>
      %dma_wait3A_175 = arith.constant 0 : i32
      %dma_wait3A_176 = tpu.memref_slice %arg14[%add3A_140, %dma_wait3A_175] : memref<10240x128xf32, #tpu.memory_space<vmem_shared>> -> memref<64x128xf32, #tpu.memory_space<vmem_shared>>
      tpu.wait_dma2 semaphore(%run_scoped3A : memref<!tpu.dma_semaphore, #tpu.memory_space<semaphore_mem>>) src(%dma_wait3A_176 : memref<64x128xf32, #tpu.memory_space<vmem_shared>>) dst(%dma_wait3A_174 : memref<64x128xf32, #tpu.memory_space<vmem>>)
      tpu.yield
    }) : () -> ()
    %add3A_141 = arith.constant 384 : i32
    %add3A_142 = arith.addi %add3A_114, %add3A_141 : i32
    "tpu.region"() ({
      %run_scoped3A = tpu.sem_alloc : memref<!tpu.dma_semaphore, #tpu.memory_space<semaphore_mem>>
      %dma_start3A_157 = arith.constant 0 : i32
      %dma_start3A_158 = arith.constant 0 : i32
      %dma_start3A_159 = tpu.memref_slice %arg11[%dma_start3A_157, %dma_start3A_158] : memref<80x128xf32, #tpu.memory_space<vmem>> -> memref<64x128xf32, #tpu.memory_space<vmem>>
      %dma_start3A_160 = arith.constant 0 : i32
      %dma_start3A_161 = tpu.memref_slice %arg5[%add3A_142, %dma_start3A_160] : memref<20480x128xf32, #tpu.memory_space<hbm>> -> memref<64x128xf32, #tpu.memory_space<hbm>>
      %dma_start3A_162 = arith.constant 0 : i32
      %dma_start3A_163 = tpu.memref_slice %arg5[%add3A_142, %dma_start3A_162] : memref<20480x128xf32, #tpu.memory_space<hbm>> -> memref<64x128xf32, #tpu.memory_space<hbm>>
      %dma_start3A_164 = arith.constant 0 : i32
      %dma_start3A_165 = arith.constant 0 : i32
      %dma_start3A_166 = tpu.memref_slice %arg11[%dma_start3A_164, %dma_start3A_165] : memref<80x128xf32, #tpu.memory_space<vmem>> -> memref<64x128xf32, #tpu.memory_space<vmem>>
      tpu.enqueue_dma source(%dma_start3A_166 : memref<64x128xf32, #tpu.memory_space<vmem>>) target(%dma_start3A_163 : memref<64x128xf32, #tpu.memory_space<hbm>>) target_semaphore(%run_scoped3A : memref<!tpu.dma_semaphore, #tpu.memory_space<semaphore_mem>>)
      %dma_wait3A_167 = arith.constant 0 : i32
      %dma_wait3A_168 = arith.constant 0 : i32
      %dma_wait3A_169 = tpu.memref_slice %arg11[%dma_wait3A_167, %dma_wait3A_168] : memref<80x128xf32, #tpu.memory_space<vmem>> -> memref<64x128xf32, #tpu.memory_space<vmem>>
      %dma_wait3A_170 = arith.constant 0 : i32
      %dma_wait3A_171 = tpu.memref_slice %arg5[%add3A_142, %dma_wait3A_170] : memref<20480x128xf32, #tpu.memory_space<hbm>> -> memref<64x128xf32, #tpu.memory_space<hbm>>
      %dma_wait3A_172 = arith.constant 0 : i32
      %dma_wait3A_173 = tpu.memref_slice %arg5[%add3A_142, %dma_wait3A_172] : memref<20480x128xf32, #tpu.memory_space<hbm>> -> memref<64x128xf32, #tpu.memory_space<hbm>>
      %dma_wait3A_174 = arith.constant 0 : i32
      %dma_wait3A_175 = arith.constant 0 : i32
      %dma_wait3A_176 = tpu.memref_slice %arg11[%dma_wait3A_174, %dma_wait3A_175] : memref<80x128xf32, #tpu.memory_space<vmem>> -> memref<64x128xf32, #tpu.memory_space<vmem>>
      tpu.wait_dma2 semaphore(%run_scoped3A : memref<!tpu.dma_semaphore, #tpu.memory_space<semaphore_mem>>) src(%dma_wait3A_176 : memref<64x128xf32, #tpu.memory_space<vmem>>) dst(%dma_wait3A_173 : memref<64x128xf32, #tpu.memory_space<hbm>>)
      tpu.yield
    }) : () -> ()
    %add3A_143 = arith.constant 448 : i32
    %add3A_144 = arith.addi %mul3A_16, %add3A_143 : i32
    "tpu.region"() ({
      %run_scoped3A = tpu.sem_alloc : memref<!tpu.dma_semaphore, #tpu.memory_space<semaphore_mem>>
      %dma_start3A_157 = arith.constant 0 : i32
      %dma_start3A_158 = arith.constant 0 : i32
      %dma_start3A_159 = tpu.memref_slice %arg11[%dma_start3A_157, %dma_start3A_158] : memref<80x128xf32, #tpu.memory_space<vmem>> -> memref<64x128xf32, #tpu.memory_space<vmem>>
      %dma_start3A_160 = arith.constant 0 : i32
      %dma_start3A_161 = tpu.memref_slice %arg14[%add3A_144, %dma_start3A_160] : memref<10240x128xf32, #tpu.memory_space<vmem_shared>> -> memref<64x128xf32, #tpu.memory_space<vmem_shared>>
      %dma_start3A_162 = arith.constant 0 : i32
      %dma_start3A_163 = arith.constant 0 : i32
      %dma_start3A_164 = tpu.memref_slice %arg11[%dma_start3A_162, %dma_start3A_163] : memref<80x128xf32, #tpu.memory_space<vmem>> -> memref<64x128xf32, #tpu.memory_space<vmem>>
      %dma_start3A_165 = arith.constant 0 : i32
      %dma_start3A_166 = tpu.memref_slice %arg14[%add3A_144, %dma_start3A_165] : memref<10240x128xf32, #tpu.memory_space<vmem_shared>> -> memref<64x128xf32, #tpu.memory_space<vmem_shared>>
      tpu.enqueue_dma source(%dma_start3A_166 : memref<64x128xf32, #tpu.memory_space<vmem_shared>>) target(%dma_start3A_164 : memref<64x128xf32, #tpu.memory_space<vmem>>) target_semaphore(%run_scoped3A : memref<!tpu.dma_semaphore, #tpu.memory_space<semaphore_mem>>)
      %dma_wait3A_167 = arith.constant 0 : i32
      %dma_wait3A_168 = arith.constant 0 : i32
      %dma_wait3A_169 = tpu.memref_slice %arg11[%dma_wait3A_167, %dma_wait3A_168] : memref<80x128xf32, #tpu.memory_space<vmem>> -> memref<64x128xf32, #tpu.memory_space<vmem>>
      %dma_wait3A_170 = arith.constant 0 : i32
      %dma_wait3A_171 = tpu.memref_slice %arg14[%add3A_144, %dma_wait3A_170] : memref<10240x128xf32, #tpu.memory_space<vmem_shared>> -> memref<64x128xf32, #tpu.memory_space<vmem_shared>>
      %dma_wait3A_172 = arith.constant 0 : i32
      %dma_wait3A_173 = arith.constant 0 : i32
      %dma_wait3A_174 = tpu.memref_slice %arg11[%dma_wait3A_172, %dma_wait3A_173] : memref<80x128xf32, #tpu.memory_space<vmem>> -> memref<64x128xf32, #tpu.memory_space<vmem>>
      %dma_wait3A_175 = arith.constant 0 : i32
      %dma_wait3A_176 = tpu.memref_slice %arg14[%add3A_144, %dma_wait3A_175] : memref<10240x128xf32, #tpu.memory_space<vmem_shared>> -> memref<64x128xf32, #tpu.memory_space<vmem_shared>>
      tpu.wait_dma2 semaphore(%run_scoped3A : memref<!tpu.dma_semaphore, #tpu.memory_space<semaphore_mem>>) src(%dma_wait3A_176 : memref<64x128xf32, #tpu.memory_space<vmem_shared>>) dst(%dma_wait3A_174 : memref<64x128xf32, #tpu.memory_space<vmem>>)
      tpu.yield
    }) : () -> ()
    %add3A_145 = arith.constant 448 : i32
    %add3A_146 = arith.addi %add3A_114, %add3A_145 : i32
    "tpu.region"() ({
      %run_scoped3A = tpu.sem_alloc : memref<!tpu.dma_semaphore, #tpu.memory_space<semaphore_mem>>
      %dma_start3A_157 = arith.constant 0 : i32
      %dma_start3A_158 = arith.constant 0 : i32
      %dma_start3A_159 = tpu.memref_slice %arg11[%dma_start3A_157, %dma_start3A_158] : memref<80x128xf32, #tpu.memory_space<vmem>> -> memref<64x128xf32, #tpu.memory_space<vmem>>
      %dma_start3A_160 = arith.constant 0 : i32
      %dma_start3A_161 = tpu.memref_slice %arg5[%add3A_146, %dma_start3A_160] : memref<20480x128xf32, #tpu.memory_space<hbm>> -> memref<64x128xf32, #tpu.memory_space<hbm>>
      %dma_start3A_162 = arith.constant 0 : i32
      %dma_start3A_163 = tpu.memref_slice %arg5[%add3A_146, %dma_start3A_162] : memref<20480x128xf32, #tpu.memory_space<hbm>> -> memref<64x128xf32, #tpu.memory_space<hbm>>
      %dma_start3A_164 = arith.constant 0 : i32
      %dma_start3A_165 = arith.constant 0 : i32
      %dma_start3A_166 = tpu.memref_slice %arg11[%dma_start3A_164, %dma_start3A_165] : memref<80x128xf32, #tpu.memory_space<vmem>> -> memref<64x128xf32, #tpu.memory_space<vmem>>
      tpu.enqueue_dma source(%dma_start3A_166 : memref<64x128xf32, #tpu.memory_space<vmem>>) target(%dma_start3A_163 : memref<64x128xf32, #tpu.memory_space<hbm>>) target_semaphore(%run_scoped3A : memref<!tpu.dma_semaphore, #tpu.memory_space<semaphore_mem>>)
      %dma_wait3A_167 = arith.constant 0 : i32
      %dma_wait3A_168 = arith.constant 0 : i32
      %dma_wait3A_169 = tpu.memref_slice %arg11[%dma_wait3A_167, %dma_wait3A_168] : memref<80x128xf32, #tpu.memory_space<vmem>> -> memref<64x128xf32, #tpu.memory_space<vmem>>
      %dma_wait3A_170 = arith.constant 0 : i32
      %dma_wait3A_171 = tpu.memref_slice %arg5[%add3A_146, %dma_wait3A_170] : memref<20480x128xf32, #tpu.memory_space<hbm>> -> memref<64x128xf32, #tpu.memory_space<hbm>>
      %dma_wait3A_172 = arith.constant 0 : i32
      %dma_wait3A_173 = tpu.memref_slice %arg5[%add3A_146, %dma_wait3A_172] : memref<20480x128xf32, #tpu.memory_space<hbm>> -> memref<64x128xf32, #tpu.memory_space<hbm>>
      %dma_wait3A_174 = arith.constant 0 : i32
      %dma_wait3A_175 = arith.constant 0 : i32
      %dma_wait3A_176 = tpu.memref_slice %arg11[%dma_wait3A_174, %dma_wait3A_175] : memref<80x128xf32, #tpu.memory_space<vmem>> -> memref<64x128xf32, #tpu.memory_space<vmem>>
      tpu.wait_dma2 semaphore(%run_scoped3A : memref<!tpu.dma_semaphore, #tpu.memory_space<semaphore_mem>>) src(%dma_wait3A_176 : memref<64x128xf32, #tpu.memory_space<vmem>>) dst(%dma_wait3A_173 : memref<64x128xf32, #tpu.memory_space<hbm>>)
      tpu.yield
    }) : () -> ()
    %add3A_147 = arith.constant 512 : i32
    %add3A_148 = arith.addi %mul3A_16, %add3A_147 : i32
    "tpu.region"() ({
      %run_scoped3A = tpu.sem_alloc : memref<!tpu.dma_semaphore, #tpu.memory_space<semaphore_mem>>
      %dma_start3A_157 = arith.constant 0 : i32
      %dma_start3A_158 = arith.constant 0 : i32
      %dma_start3A_159 = tpu.memref_slice %arg11[%dma_start3A_157, %dma_start3A_158] : memref<80x128xf32, #tpu.memory_space<vmem>> -> memref<64x128xf32, #tpu.memory_space<vmem>>
      %dma_start3A_160 = arith.constant 0 : i32
      %dma_start3A_161 = tpu.memref_slice %arg14[%add3A_148, %dma_start3A_160] : memref<10240x128xf32, #tpu.memory_space<vmem_shared>> -> memref<64x128xf32, #tpu.memory_space<vmem_shared>>
      %dma_start3A_162 = arith.constant 0 : i32
      %dma_start3A_163 = arith.constant 0 : i32
      %dma_start3A_164 = tpu.memref_slice %arg11[%dma_start3A_162, %dma_start3A_163] : memref<80x128xf32, #tpu.memory_space<vmem>> -> memref<64x128xf32, #tpu.memory_space<vmem>>
      %dma_start3A_165 = arith.constant 0 : i32
      %dma_start3A_166 = tpu.memref_slice %arg14[%add3A_148, %dma_start3A_165] : memref<10240x128xf32, #tpu.memory_space<vmem_shared>> -> memref<64x128xf32, #tpu.memory_space<vmem_shared>>
      tpu.enqueue_dma source(%dma_start3A_166 : memref<64x128xf32, #tpu.memory_space<vmem_shared>>) target(%dma_start3A_164 : memref<64x128xf32, #tpu.memory_space<vmem>>) target_semaphore(%run_scoped3A : memref<!tpu.dma_semaphore, #tpu.memory_space<semaphore_mem>>)
      %dma_wait3A_167 = arith.constant 0 : i32
      %dma_wait3A_168 = arith.constant 0 : i32
      %dma_wait3A_169 = tpu.memref_slice %arg11[%dma_wait3A_167, %dma_wait3A_168] : memref<80x128xf32, #tpu.memory_space<vmem>> -> memref<64x128xf32, #tpu.memory_space<vmem>>
      %dma_wait3A_170 = arith.constant 0 : i32
      %dma_wait3A_171 = tpu.memref_slice %arg14[%add3A_148, %dma_wait3A_170] : memref<10240x128xf32, #tpu.memory_space<vmem_shared>> -> memref<64x128xf32, #tpu.memory_space<vmem_shared>>
      %dma_wait3A_172 = arith.constant 0 : i32
      %dma_wait3A_173 = arith.constant 0 : i32
      %dma_wait3A_174 = tpu.memref_slice %arg11[%dma_wait3A_172, %dma_wait3A_173] : memref<80x128xf32, #tpu.memory_space<vmem>> -> memref<64x128xf32, #tpu.memory_space<vmem>>
      %dma_wait3A_175 = arith.constant 0 : i32
      %dma_wait3A_176 = tpu.memref_slice %arg14[%add3A_148, %dma_wait3A_175] : memref<10240x128xf32, #tpu.memory_space<vmem_shared>> -> memref<64x128xf32, #tpu.memory_space<vmem_shared>>
      tpu.wait_dma2 semaphore(%run_scoped3A : memref<!tpu.dma_semaphore, #tpu.memory_space<semaphore_mem>>) src(%dma_wait3A_176 : memref<64x128xf32, #tpu.memory_space<vmem_shared>>) dst(%dma_wait3A_174 : memref<64x128xf32, #tpu.memory_space<vmem>>)
      tpu.yield
    }) : () -> ()
    %add3A_149 = arith.constant 512 : i32
    %add3A_150 = arith.addi %add3A_114, %add3A_149 : i32
    "tpu.region"() ({
      %run_scoped3A = tpu.sem_alloc : memref<!tpu.dma_semaphore, #tpu.memory_space<semaphore_mem>>
      %dma_start3A_157 = arith.constant 0 : i32
      %dma_start3A_158 = arith.constant 0 : i32
      %dma_start3A_159 = tpu.memref_slice %arg11[%dma_start3A_157, %dma_start3A_158] : memref<80x128xf32, #tpu.memory_space<vmem>> -> memref<64x128xf32, #tpu.memory_space<vmem>>
      %dma_start3A_160 = arith.constant 0 : i32
      %dma_start3A_161 = tpu.memref_slice %arg5[%add3A_150, %dma_start3A_160] : memref<20480x128xf32, #tpu.memory_space<hbm>> -> memref<64x128xf32, #tpu.memory_space<hbm>>
      %dma_start3A_162 = arith.constant 0 : i32
      %dma_start3A_163 = tpu.memref_slice %arg5[%add3A_150, %dma_start3A_162] : memref<20480x128xf32, #tpu.memory_space<hbm>> -> memref<64x128xf32, #tpu.memory_space<hbm>>
      %dma_start3A_164 = arith.constant 0 : i32
      %dma_start3A_165 = arith.constant 0 : i32
      %dma_start3A_166 = tpu.memref_slice %arg11[%dma_start3A_164, %dma_start3A_165] : memref<80x128xf32, #tpu.memory_space<vmem>> -> memref<64x128xf32, #tpu.memory_space<vmem>>
      tpu.enqueue_dma source(%dma_start3A_166 : memref<64x128xf32, #tpu.memory_space<vmem>>) target(%dma_start3A_163 : memref<64x128xf32, #tpu.memory_space<hbm>>) target_semaphore(%run_scoped3A : memref<!tpu.dma_semaphore, #tpu.memory_space<semaphore_mem>>)
      %dma_wait3A_167 = arith.constant 0 : i32
      %dma_wait3A_168 = arith.constant 0 : i32
      %dma_wait3A_169 = tpu.memref_slice %arg11[%dma_wait3A_167, %dma_wait3A_168] : memref<80x128xf32, #tpu.memory_space<vmem>> -> memref<64x128xf32, #tpu.memory_space<vmem>>
      %dma_wait3A_170 = arith.constant 0 : i32
      %dma_wait3A_171 = tpu.memref_slice %arg5[%add3A_150, %dma_wait3A_170] : memref<20480x128xf32, #tpu.memory_space<hbm>> -> memref<64x128xf32, #tpu.memory_space<hbm>>
      %dma_wait3A_172 = arith.constant 0 : i32
      %dma_wait3A_173 = tpu.memref_slice %arg5[%add3A_150, %dma_wait3A_172] : memref<20480x128xf32, #tpu.memory_space<hbm>> -> memref<64x128xf32, #tpu.memory_space<hbm>>
      %dma_wait3A_174 = arith.constant 0 : i32
      %dma_wait3A_175 = arith.constant 0 : i32
      %dma_wait3A_176 = tpu.memref_slice %arg11[%dma_wait3A_174, %dma_wait3A_175] : memref<80x128xf32, #tpu.memory_space<vmem>> -> memref<64x128xf32, #tpu.memory_space<vmem>>
      tpu.wait_dma2 semaphore(%run_scoped3A : memref<!tpu.dma_semaphore, #tpu.memory_space<semaphore_mem>>) src(%dma_wait3A_176 : memref<64x128xf32, #tpu.memory_space<vmem>>) dst(%dma_wait3A_173 : memref<64x128xf32, #tpu.memory_space<hbm>>)
      tpu.yield
    }) : () -> ()
    %add3A_151 = arith.constant 576 : i32
    %add3A_152 = arith.addi %mul3A_16, %add3A_151 : i32
    "tpu.region"() ({
      %run_scoped3A = tpu.sem_alloc : memref<!tpu.dma_semaphore, #tpu.memory_space<semaphore_mem>>
      %dma_start3A_157 = arith.constant 0 : i32
      %dma_start3A_158 = arith.constant 0 : i32
      %dma_start3A_159 = tpu.memref_slice %arg11[%dma_start3A_157, %dma_start3A_158] : memref<80x128xf32, #tpu.memory_space<vmem>> -> memref<64x128xf32, #tpu.memory_space<vmem>>
      %dma_start3A_160 = arith.constant 0 : i32
      %dma_start3A_161 = tpu.memref_slice %arg14[%add3A_152, %dma_start3A_160] : memref<10240x128xf32, #tpu.memory_space<vmem_shared>> -> memref<64x128xf32, #tpu.memory_space<vmem_shared>>
      %dma_start3A_162 = arith.constant 0 : i32
      %dma_start3A_163 = arith.constant 0 : i32
      %dma_start3A_164 = tpu.memref_slice %arg11[%dma_start3A_162, %dma_start3A_163] : memref<80x128xf32, #tpu.memory_space<vmem>> -> memref<64x128xf32, #tpu.memory_space<vmem>>
      %dma_start3A_165 = arith.constant 0 : i32
      %dma_start3A_166 = tpu.memref_slice %arg14[%add3A_152, %dma_start3A_165] : memref<10240x128xf32, #tpu.memory_space<vmem_shared>> -> memref<64x128xf32, #tpu.memory_space<vmem_shared>>
      tpu.enqueue_dma source(%dma_start3A_166 : memref<64x128xf32, #tpu.memory_space<vmem_shared>>) target(%dma_start3A_164 : memref<64x128xf32, #tpu.memory_space<vmem>>) target_semaphore(%run_scoped3A : memref<!tpu.dma_semaphore, #tpu.memory_space<semaphore_mem>>)
      %dma_wait3A_167 = arith.constant 0 : i32
      %dma_wait3A_168 = arith.constant 0 : i32
      %dma_wait3A_169 = tpu.memref_slice %arg11[%dma_wait3A_167, %dma_wait3A_168] : memref<80x128xf32, #tpu.memory_space<vmem>> -> memref<64x128xf32, #tpu.memory_space<vmem>>
      %dma_wait3A_170 = arith.constant 0 : i32
      %dma_wait3A_171 = tpu.memref_slice %arg14[%add3A_152, %dma_wait3A_170] : memref<10240x128xf32, #tpu.memory_space<vmem_shared>> -> memref<64x128xf32, #tpu.memory_space<vmem_shared>>
      %dma_wait3A_172 = arith.constant 0 : i32
      %dma_wait3A_173 = arith.constant 0 : i32
      %dma_wait3A_174 = tpu.memref_slice %arg11[%dma_wait3A_172, %dma_wait3A_173] : memref<80x128xf32, #tpu.memory_space<vmem>> -> memref<64x128xf32, #tpu.memory_space<vmem>>
      %dma_wait3A_175 = arith.constant 0 : i32
      %dma_wait3A_176 = tpu.memref_slice %arg14[%add3A_152, %dma_wait3A_175] : memref<10240x128xf32, #tpu.memory_space<vmem_shared>> -> memref<64x128xf32, #tpu.memory_space<vmem_shared>>
      tpu.wait_dma2 semaphore(%run_scoped3A : memref<!tpu.dma_semaphore, #tpu.memory_space<semaphore_mem>>) src(%dma_wait3A_176 : memref<64x128xf32, #tpu.memory_space<vmem_shared>>) dst(%dma_wait3A_174 : memref<64x128xf32, #tpu.memory_space<vmem>>)
      tpu.yield
    }) : () -> ()
    %add3A_153 = arith.constant 576 : i32
    %add3A_154 = arith.addi %add3A_114, %add3A_153 : i32
    "tpu.region"() ({
      %run_scoped3A = tpu.sem_alloc : memref<!tpu.dma_semaphore, #tpu.memory_space<semaphore_mem>>
      %dma_start3A_157 = arith.constant 0 : i32
      %dma_start3A_158 = arith.constant 0 : i32
      %dma_start3A_159 = tpu.memref_slice %arg11[%dma_start3A_157, %dma_start3A_158] : memref<80x128xf32, #tpu.memory_space<vmem>> -> memref<64x128xf32, #tpu.memory_space<vmem>>
      %dma_start3A_160 = arith.constant 0 : i32
      %dma_start3A_161 = tpu.memref_slice %arg5[%add3A_154, %dma_start3A_160] : memref<20480x128xf32, #tpu.memory_space<hbm>> -> memref<64x128xf32, #tpu.memory_space<hbm>>
      %dma_start3A_162 = arith.constant 0 : i32
      %dma_start3A_163 = tpu.memref_slice %arg5[%add3A_154, %dma_start3A_162] : memref<20480x128xf32, #tpu.memory_space<hbm>> -> memref<64x128xf32, #tpu.memory_space<hbm>>
      %dma_start3A_164 = arith.constant 0 : i32
      %dma_start3A_165 = arith.constant 0 : i32
      %dma_start3A_166 = tpu.memref_slice %arg11[%dma_start3A_164, %dma_start3A_165] : memref<80x128xf32, #tpu.memory_space<vmem>> -> memref<64x128xf32, #tpu.memory_space<vmem>>
      tpu.enqueue_dma source(%dma_start3A_166 : memref<64x128xf32, #tpu.memory_space<vmem>>) target(%dma_start3A_163 : memref<64x128xf32, #tpu.memory_space<hbm>>) target_semaphore(%run_scoped3A : memref<!tpu.dma_semaphore, #tpu.memory_space<semaphore_mem>>)
      %dma_wait3A_167 = arith.constant 0 : i32
      %dma_wait3A_168 = arith.constant 0 : i32
      %dma_wait3A_169 = tpu.memref_slice %arg11[%dma_wait3A_167, %dma_wait3A_168] : memref<80x128xf32, #tpu.memory_space<vmem>> -> memref<64x128xf32, #tpu.memory_space<vmem>>
      %dma_wait3A_170 = arith.constant 0 : i32
      %dma_wait3A_171 = tpu.memref_slice %arg5[%add3A_154, %dma_wait3A_170] : memref<20480x128xf32, #tpu.memory_space<hbm>> -> memref<64x128xf32, #tpu.memory_space<hbm>>
      %dma_wait3A_172 = arith.constant 0 : i32
      %dma_wait3A_173 = tpu.memref_slice %arg5[%add3A_154, %dma_wait3A_172] : memref<20480x128xf32, #tpu.memory_space<hbm>> -> memref<64x128xf32, #tpu.memory_space<hbm>>
      %dma_wait3A_174 = arith.constant 0 : i32
      %dma_wait3A_175 = arith.constant 0 : i32
      %dma_wait3A_176 = tpu.memref_slice %arg11[%dma_wait3A_174, %dma_wait3A_175] : memref<80x128xf32, #tpu.memory_space<vmem>> -> memref<64x128xf32, #tpu.memory_space<vmem>>
      tpu.wait_dma2 semaphore(%run_scoped3A : memref<!tpu.dma_semaphore, #tpu.memory_space<semaphore_mem>>) src(%dma_wait3A_176 : memref<64x128xf32, #tpu.memory_space<vmem>>) dst(%dma_wait3A_173 : memref<64x128xf32, #tpu.memory_space<hbm>>)
      tpu.yield
    }) : () -> ()
    %mul3A_155 = arith.constant 10240 : i32
    %mul3A_156 = arith.muli %add3A, %mul3A_155 : i32
    "tpu.region"() ({
      %run_scoped3A = tpu.sem_alloc : memref<!tpu.dma_semaphore, #tpu.memory_space<semaphore_mem>>
      %dma_start3A_157 = tpu.memref_slice %arg6[%mul3A_156] : memref<327680xf32, #tpu.memory_space<hbm>> -> memref<10240xf32, #tpu.memory_space<hbm>>
      %dma_start3A_158 = tpu.memref_slice %arg6[%mul3A_156] : memref<327680xf32, #tpu.memory_space<hbm>> -> memref<10240xf32, #tpu.memory_space<hbm>>
      tpu.enqueue_dma source(%arg13 : memref<10240xf32, #tpu.memory_space<vmem>>) target(%dma_start3A_158 : memref<10240xf32, #tpu.memory_space<hbm>>) target_semaphore(%run_scoped3A : memref<!tpu.dma_semaphore, #tpu.memory_space<semaphore_mem>>)
      %dma_wait3A_159 = tpu.memref_slice %arg6[%mul3A_156] : memref<327680xf32, #tpu.memory_space<hbm>> -> memref<10240xf32, #tpu.memory_space<hbm>>
      %dma_wait3A_160 = tpu.memref_slice %arg6[%mul3A_156] : memref<327680xf32, #tpu.memory_space<hbm>> -> memref<10240xf32, #tpu.memory_space<hbm>>
      tpu.wait_dma2 semaphore(%run_scoped3A : memref<!tpu.dma_semaphore, #tpu.memory_space<semaphore_mem>>) src(%arg13 : memref<10240xf32, #tpu.memory_space<vmem>>) dst(%dma_wait3A_160 : memref<10240xf32, #tpu.memory_space<hbm>>)
      tpu.yield
    }) : () -> ()
    return
  }
}

module attributes {stable_mosaic.version = 14 : i64} {
  func.func @_tc_finish_body(%arg0: i32, %arg1: memref<2x1024x128xf32, #tpu.memory_space<vmem>>, %arg2: memref<32x1024xf32, #tpu.memory_space<vmem>>, %arg3: memref<128x128xf32, #tpu.memory_space<vmem>>, %arg4: memref<1x128xf32, #tpu.memory_space<vmem>>, %arg5: memref<1024x128xf32, #tpu.memory_space<vmem>>) attributes {dimension_semantics = [#tpu.dimension_semantics<arbitrary>], iteration_bounds = array<i64: 10>, scalar_prefetch = 0 : i64, scratch_operands = 0 : i64, tpu.core_type = #tpu.core_type<tc>, window_params = [{transform_indices = @transform_0, window_bounds = array<i64: 2, 1024, 128>}, {transform_indices = @transform_1, window_bounds = array<i64: 32, 1024>}, {pipeline_mode = #tpu.pipeline_mode<synchronous>, transform_indices = @transform_2, window_bounds = array<i64: 128, 128>}, {pipeline_mode = #tpu.pipeline_mode<synchronous>, transform_indices = @transform_3, window_bounds = array<i64: 1, 128>}, {transform_indices = @transform_4, window_bounds = array<i64: 1024, 128>}]} {
    %get3A = arith.constant 0 : index
    %get3A_0 = arith.constant 0 : index
    %get3A_1 = arith.constant 0 : index
    %get3A_2 = vector.load %arg1[%get3A, %get3A_0, %get3A_1] : memref<2x1024x128xf32, #tpu.memory_space<vmem>>, vector<1x1024x128xf32>
    %get3A_3 = vector.shape_cast %get3A_2 : vector<1x1024x128xf32> to vector<1024x128xf32>
    %get3A_4 = arith.constant 1 : index
    %get3A_5 = arith.constant 0 : index
    %get3A_6 = arith.constant 0 : index
    %get3A_7 = vector.load %arg1[%get3A_4, %get3A_5, %get3A_6] : memref<2x1024x128xf32, #tpu.memory_space<vmem>>, vector<1x1024x128xf32>
    %get3A_8 = vector.shape_cast %get3A_7 : vector<1x1024x128xf32> to vector<1024x128xf32>
    %add3A = arith.addf %get3A_3, %get3A_8 : vector<1024x128xf32>
    %get3A_9 = arith.constant 0 : index
    %get3A_10 = arith.constant 0 : index
    %get3A_11 = vector.load %arg2[%get3A_9, %get3A_10] : memref<32x1024xf32, #tpu.memory_space<vmem>>, vector<32x1024xf32>
    %reduce_sum3A = arith.constant dense<0.000000e+00> : vector<1024xf32>
    %reduce_sum3A_12 = vector.multi_reduction <add>, %get3A_11, %reduce_sum3A [0] : vector<32x1024xf32> to vector<1024xf32>
    %broadcast_in_dim3A = vector.shape_cast %reduce_sum3A_12 : vector<1024xf32> to vector<1024x1xf32>
    %max3A = arith.constant 1.000000e+00 : f32
    %max3A_13 = vector.broadcast %max3A : f32 to vector<1024x1xf32>
    %max3A_14 = arith.maximumf %broadcast_in_dim3A, %max3A_13 : vector<1024x1xf32>
    %div3A = vector.broadcast %max3A_14 : vector<1024x1xf32> to vector<1024x128xf32>
    %div3A_15 = arith.divf %add3A, %div3A : vector<1024x128xf32>
    %get3A_16 = arith.constant 0 : index
    %get3A_17 = arith.constant 0 : index
    %get3A_18 = vector.load %arg3[%get3A_16, %get3A_17] : memref<128x128xf32, #tpu.memory_space<vmem>>, vector<128x128xf32>
    %dot_general3A = arith.constant dense<0.000000e+00> : vector<1024x128xf32>
    %dot_general3A_19 = tpu.matmul %div3A_15, %get3A_18, %dot_general3A {dimension_numbers = #tpu.dot_dimension_numbers<[1], [0], [0], [1], [0, 0, 1, 1], [], []>, transpose_lhs_hint = false} : vector<1024x128xf32>, vector<128x128xf32>, vector<1024x128xf32> -> vector<1024x128xf32>
    %get3A_20 = arith.constant 0 : index
    %get3A_21 = arith.constant 0 : index
    %get3A_22 = vector.load %arg4[%get3A_20, %get3A_21] : memref<1x128xf32, #tpu.memory_space<vmem>>, vector<1x128xf32>
    %add3A_23 = vector.broadcast %get3A_22 : vector<1x128xf32> to vector<1024x128xf32>
    %add3A_24 = arith.addf %dot_general3A_19, %add3A_23 : vector<1024x128xf32>
    %swap3A = arith.constant 0 : index
    %swap3A_25 = arith.constant 0 : index
    %swap3A_26 = vector.load %arg5[%swap3A, %swap3A_25] : memref<1024x128xf32, #tpu.memory_space<vmem>>, vector<1024x128xf32>
    tpu.vector_store %arg5[%swap3A, %swap3A_25], %add3A_24 {strides = array<i32>} : memref<1024x128xf32, #tpu.memory_space<vmem>>, vector<1024x128xf32>,
    return
  }
  func.func @transform_0(%arg0: i32) -> (i32, i32, i32) {
    %c0_i32 = arith.constant 0 : i32
    %c0_i32_0 = arith.constant 0 : i32
    %c0_i32_1 = arith.constant 0 : i32
    return %c0_i32, %arg0, %c0_i32_0 : i32, i32, i32
  }
  func.func @transform_1(%arg0: i32) -> (i32, i32) {
    %c0_i32 = arith.constant 0 : i32
    %c0_i32_0 = arith.constant 0 : i32
    return %c0_i32, %arg0 : i32, i32
  }
  func.func @transform_2(%arg0: i32) -> (i32, i32) {
    %c0_i32 = arith.constant 0 : i32
    %c0_i32_0 = arith.constant 0 : i32
    %c0_i32_1 = arith.constant 0 : i32
    return %c0_i32, %c0_i32_0 : i32, i32
  }
  func.func @transform_3(%arg0: i32) -> (i32, i32) {
    %c0_i32 = arith.constant 0 : i32
    %c0_i32_0 = arith.constant 0 : i32
    %c0_i32_1 = arith.constant 0 : i32
    return %c0_i32, %c0_i32_0 : i32, i32
  }
  func.func @transform_4(%arg0: i32) -> (i32, i32) {
    %c0_i32 = arith.constant 0 : i32
    %c0_i32_0 = arith.constant 0 : i32
    return %arg0, %c0_i32 : i32, i32
  }
}

</mosaic_0001>

<sc_bundles>
// kernel: kernel.4.cloned.1.call-start
scs
__scs_entry_jumppad:
0x0: {  	(pc) =	sbr.rel $0x88, $3  }
0x1: {  	(tag) =	ssettag $0x0;
	lr =	simm.s32 $0x1  }
0x2: {  	[smem:$0x3F9D] =	sst lr;
	_ =	strace $0xD0000000  }
0x3: {  	_ = 	snop  }
0x4: {  	_ = 	snop  }
0x5: {  	_ = 	snop  }
0x6: {  	_ = 	snop  }
0x7: {  	_ = 	snop  }
__scs_overlays_trampoline_lowered:
0x8: {  	[smem:$0x3FAC] =	sst s0  }
0x9: {  	[smem:$0x3FAD] =	sst s1  }
0xa: {  	[smem:$0x3FAE] =	sst s2  }
0xb: {  	[smem:$0x3FAF] =	sst s3  }
0xc: {  	[smem:$0x3FB0] =	sst s4  }
0xd: {  	[smem:$0x3FB1] =	sst s5  }
0xe: {  	[smem:$0x3FB2] =	sst s6  }
0xf: {  	[smem:$0x3FB3] =	sst s7  }
0x10: {  	[smem:$0x3FB4] =	sst s8  }
0x11: {  	[smem:$0x3FB5] =	sst s9;
	s0 =	simm.s32 @!p0 $0x0  }
0x12: {  	s1 =	sld [smem:$0x3F9B];
	s0 =	simm.s32 @p0 $0x1  }
0x13: {  	[smem:$0x3FB6] =	sst s0;
	s0 =	simm.s32 @!p1 $0x0  }
0x14: {  	s2 =	sld [smem:$0x3F9A];
	s0 =	simm.s32 @p1 $0x1  }
0x15: {  	[smem:$0x3FB7] =	sst s0;
	s0 =	simm.s32 @!p2 $0x0  }
0x16: {  	s3 =	sld [smem:$0x3FDB];
	s0 =	simm.s32 @p2 $0x1  }
0x17: {  	s4 =	simm.s32 $0x1BF5;
	[smem:$0x3FB9] =	sst s0  }
0x18: {  	s0 =	sld [smem:$0x3F9C];
	_ =	swait.ge [sflag:s4], $0x0  }
0x19: {  	s7 =	sld [smem:$0x3F9D]  }
0x1a: {  	s8 =	sadd.s32 $0xFFFFE003, lr  }
0x1b: {  	s9 =	sadd.s32 $0xFFFFFEF7, lr;
	s5 =	simm.s32 $0xFFFFFFFF;
	p2 =	slt.u32 s8, $0xFFFFF086  }
0x1c: {  	p1 =	slt.u32 s9, $0xF7A;
	s5 =	simm.s32 @!p2 $0x0  }
0x1d: {  	s5 =	simm.s32 @p1 $0x1;
	p0 =	seq.s32 s7, s2  }
0x1e: {  	s7 =	smul.u32 @!p0 $0xF7A, s2;
	p2 =	seq.s32 @!p0 s5, $0x0  }
0x1f: {  	s9 =	smul.u32 $0xF7A, s1;
	s8 =	simm.s32 @!p0 $0x1BF5;
	p2 =	por !p2, p0  }
0x20: {  	[sflag:s8] =	ssyncset.s32 @!p0 $0xFFFFF086;
	s6 =	sadd.s32 @!p0 s3, s7;
	s7 =	simm.s32 @!p0 $0x108  }
0x21: {  	s3 =	sadd.s32 s3, s9;
	s6 =	sadd.s32 @!p0 $0x88, s6;
	s7 =	simm.s32 @p2 $0x1082  }
0x22: {  	[simem:s7], [sflag:s8] =	dma.local @!p0 [hbm:s6], $0xF7A  }
0x23: {  	s9 =	sor.u32 $0xD0000000, s2;
	s6 =	simm.s32 $0x108;
	_ =	swait.ge @!p0 [sflag:s8], $0x0  }
0x24: {  	s3 =	sadd.s32 $0x88, s3;
	s6 =	simm.s32 @!p1 $0x1082;
	[sflag:s4] =	ssyncset.s32 $0xFFFFF086  }
0x25: {  	[simem:s6], [sflag:s4] =	dma.local [hbm:s3], $0xF7A  }
0x26: {  	[smem:$0x3F9D] =	sst s1;
	(tag) =	ssettag s2;
	_ =	strace s9  }
0x27: {  	s1 =	sld [smem:$0x3FAD]  }
0x28: {  	s2 =	sld [smem:$0x3FAE]  }
0x29: {  	s4 =	sld [smem:$0x3FB0]  }
0x2a: {  	p0 =	seq.s32 s5, $0x0;
	s5 =	sld [smem:$0x3FB1]  }
0x2b: {  	s6 =	sld [smem:$0x3FB2]  }
0x2c: {  	s7 =	sld [smem:$0x3FB3]  }
0x2d: {  	s3 =	simm.s32 $0x108;
	s8 =	sld [smem:$0x3FB4]  }
0x2e: {  	s3 =	simm.s32 @!p0 $0x1082;
	s9 =	sld [smem:$0x3FB5]  }
0x2f: {  	lr =	sadd.s32 s0, s3;
	s0 =	sld [smem:$0x3FAC]  }
0x30: {  	s3 =	sld [smem:$0x3FAF]  }
0x31: {  	[smem:$0x3FB8] =	sst s10  }
0x32: {  	s10 =	sld [smem:$0x3FB6];
	_ =	sdelay $0x3  }
0x33: {  	p0 =	seq.s32 s10, $0x1;
	s10 =	sld [smem:$0x3FB8];
	_ =	sdelay $0x3  }
0x34: {  	[smem:$0x3FB8] =	sst s10  }
0x35: {  	s10 =	sld [smem:$0x3FB7];
	_ =	sdelay $0x3  }
0x36: {  	p1 =	seq.s32 s10, $0x1;
	s10 =	sld [smem:$0x3FB8];
	_ =	sdelay $0x3  }
0x37: {  	[smem:$0x3FB8] =	sst s10  }
0x38: {  	s10 =	sld [smem:$0x3FB9]  }
0x39: {  	_ = 	snop;
	(pc) =	sbr.ind lr, $3  }
0x3a: {  	_ = 	snop  }
0x3b: {  	_ = 	snop  }
0x3c: {  	p2 =	seq.s32 s10, $0x1;
	s10 =	sld [smem:$0x3FB8]  }
0x3d: {  	_ =	shalt  }
0x3e: {  	_ =	shalt  }
0x3f: {  	_ =	shalt  }
0x40: {  	_ =	shalt  }
0x41: {  	_ =	shalt  }
0x42: {  	_ =	shalt  }
0x43: {  	_ =	shalt  }
0x44: {  	_ =	shalt  }
0x45: {  	_ =	shalt  }
0x46: {  	_ =	shalt  }
0x47: {  	_ =	shalt  }
0x48: {  	_ =	shalt  }
0x49: {  	_ =	shalt  }
0x4a: {  	_ =	shalt  }
0x4b: {  	_ =	shalt  }
0x4c: {  	_ =	shalt  }
0x4d: {  	_ =	shalt  }
0x4e: {  	_ =	shalt  }
0x4f: {  	_ =	shalt  }
0x50: {  	_ =	shalt  }
0x51: {  	_ =	shalt  }
0x52: {  	_ =	shalt  }
0x53: {  	_ =	shalt  }
0x54: {  	_ =	shalt  }
0x55: {  	_ =	shalt  }
0x56: {  	_ =	shalt  }
0x57: {  	_ =	shalt  }
0x58: {  	_ =	shalt  }
0x59: {  	_ =	shalt  }
0x5a: {  	_ =	shalt  }
0x5b: {  	_ =	shalt  }
0x5c: {  	_ =	shalt  }
0x5d: {  	_ =	shalt  }
0x5e: {  	_ =	shalt  }
0x5f: {  	_ =	shalt  }
0x60: {  	_ =	shalt  }
0x61: {  	_ =	shalt  }
0x62: {  	_ =	shalt  }
0x63: {  	_ =	shalt  }
0x64: {  	_ =	shalt  }
0x65: {  	_ =	shalt  }
0x66: {  	_ =	shalt  }
0x67: {  	_ =	shalt  }
0x68: {  	_ =	shalt  }
0x69: {  	_ =	shalt  }
0x6a: {  	_ =	shalt  }
0x6b: {  	_ =	shalt  }
0x6c: {  	_ =	shalt  }
0x6d: {  	_ =	shalt  }
0x6e: {  	_ =	shalt  }
0x6f: {  	_ =	shalt  }
0x70: {  	_ =	shalt  }
0x71: {  	_ =	shalt  }
0x72: {  	_ =	shalt  }
0x73: {  	_ =	shalt  }
0x74: {  	_ =	shalt  }
0x75: {  	_ =	shalt  }
0x76: {  	_ =	shalt  }
0x77: {  	_ =	shalt  }
0x78: {  	_ =	shalt  }
0x79: {  	_ =	shalt  }
0x7a: {  	_ =	shalt  }
0x7b: {  	_ =	shalt  }
0x7c: {  	_ =	shalt  }
0x7d: {  	_ =	shalt  }
0x7e: {  	_ =	shalt  }
0x7f: {  	_ =	shalt  }
0x80: {  	_ =	shalt  }
0x81: {  	_ =	shalt  }
0x82: {  	_ =	shalt  }
0x83: {  	_ =	shalt  }
0x84: {  	_ =	shalt  }
0x85: {  	_ =	shalt  }
0x86: {  	_ =	shalt  }
0x87: {  	_ =	shalt  }
.Lfunc_end0:
.L_simem_size_0:
called_computation_lowered:
.L_overlay_start_0:
0x88: {  	s2 =	sld [smem:$0x3FD9]  }
0x89: {  	s3 =	sld [smem:$0x3FFE];
	_ =	sdelay $0x1  }
0x8a: {  	s1 =	srdreg.scid  }
0x8b: {  	s0 =	sand.u32 $0x1, s1  }
0x8c: {  	s17 =	sshll.u32 s0, $0xA;
	s2 =	sadd.s32 s3, s2  }
0x8d: {  	s2 =	sadd.s32 s2, s17  }
0x8e: {  	[smem:$0x3FC4] =	sst s2  }
0x8f: {  	_ = 	snop  }
0x90: {  	s2 =	sld [smem:$0x3FC9]  }
0x91: {  	s18 =	sld [smem:$0x3FD0];
	(tm) =	ssettm $0x1  }
0x92: {  	s4 =	sld [smem:$0x3FFB];
	_ =	sdelay $0x3  }
0x93: {  	_ =	strace s4  }
0x94: {  	s4 =	sld [smem:$0x3FFC];
	_ =	sdelay $0x3  }
0x95: {  	_ =	strace s4  }
0x96: {  	s4 =	sld [smem:$0x3FFD];
	_ =	sdelay $0x3  }
0x97: {  	_ =	strace s4  }
0x98: {  	_ =	strace $0x8FFFFFFF  }
0x99: {  	s19 =	sld [smem:$0x3FDB];
	_ =	sdelay $0x1  }
0x9a: {  	s5 =	simm.s32 $_scs_section_size  }
0x9b: {  	s6 =	simm.s32 $_size__tile_overlayer_lowered;
	s7 =	simm.s32 $_tile_overlayer_lowered  }
0x9c: {  	s22 =	simm.s32 $0x1BFF;
	s21 =	sshll.u32 s7, $0x1;
	s4 =	sadd.s32 s5, s19  }
0x9d: {  	s8 =	simm.s32 $0x0;
	s20 =	sshll.u32 s6, $0x1;
	s6 =	sadd.s32 s21, s4  }
0x9e: {  	[timem:s8], [sflag:s22] =	dma.local [hbm:s6], s20  }
0x9f: {  	_ =	swait.ge [sflag:s22], s20  }
0xa0: {  	s5 =	ssub.s32 $0x0, s20;
	[sflag:s22] =	ssyncset.done $0x0  }
0xa1: {  	[sflag:s22] =	ssyncadd.s32 s5;
	_ =	sdelay $0x1  }
0xa2: {  	s23 =	simm.s32 $0x1B8B  }
0xa3: {  	_ =	swait.ge [sflag:s23], $0x1  }
0xa4: {  	[sflag:s23] =	ssyncset.done $0x0  }
0xa5: {  	s25 =	simm.s32 $0x1B8E;
	s24 =	sld [smem:$0x3FFE];
	[sflag:s23] =	ssyncadd.s32 $0xFFFFFFFF  }
0xa6: {  	s26 =	simm.s32 $execute0_lowered;
	[smem:$0x3FD2] =	sst s25  }
0xa7: {  	s6 =	sshll.u32 s26, $0x1;
	_ =	strace $0x80000046;
	[dreg:$0x1] =	wrdreg $0xFFFFFFFF  }
0xa8: {  	s28 =	simm.s32 $_size_execute0_lowered;
	s4 =	sadd.s32 s4, s6;
	[dreg:$0x0] =	wrdreg $0x0  }
0xa9: {  	s6 =	sshll.u32 s28, $0x1;
	[dreg:$0x2] =	wrdreg s4  }
0xaa: {  	[dreg:$0x3] =	wrdreg s6  }
0xab: {  	[dreg:$0x4] =	wrdreg $0xC0  }
0xac: {  	_ =	task [dreg:s8], $0x5FFFF  }
0xad: {  	[dreg:$0x1] =	wrdreg $0xFFFFFFFF  }
0xae: {  	[dreg:$0x0] =	wrdreg $0x60  }
0xaf: {  	[dreg:$0x2] =	wrdreg s24  }
0xb0: {  	[dreg:$0x3] =	wrdreg s2  }
0xb1: {  	[dreg:$0x4] =	wrdreg s18  }
0xb2: {  	[dreg:$0x5] =	wrdreg $0x7A000  }
0xb3: {  	[dreg:$0x6] =	wrdreg $0x9  }
0xb4: {  	_ =	task.clear_ibuf [dreg:s8], $0x7FFFF;
	_ =	strace $0x90000046  }
0xb5: {  	s29 =	simm.s32 $0x9;
	_ =	strace $0x80000048  }
0xb6: {  	_ =	swait.ge [sflag:s29], $0x1  }
0xb7: {  	[sflag:s29] =	ssyncadd.s32 $0xFFFFFFFF  }
0xb8: {  	_ =	strace $0x90000048  }
0xb9: {  	_ =	sfence  }
0xba: {  	s30 =	sld [smem:$0x0];
	_ =	sdelay $0x2  }
0xbb: {  	s31 =	sshll.u32 s1, $0xD;
	s1 =	sshrl.u32 s1, $0x2  }
0xbc: {  	s3 =	sand.u32 $0x4000, s31;
	s1 =	sadd.s32 s1, s30  }
0xbd: {  	s0 =	sor.u32 s3, s0;
	s1 =	sshll.u32 s1, $0x11  }
0xbe: {  	s0 =	sor.u32 s1, s0  }
0xbf: {  	s0 =	sadd.s32 $0x8F2B, s0  }
0xc0: {  	[sflag:s0] =	ssyncadd.remote.s32 $0x1  }
0xc1: {  	_ =	sfence.sel $0xFFFF  }
0xc2: {  	[dreg:$0x0] =	wrdreg $0xFFFFFFFF;
	(pc) =	sbr.abs _section_cstart, $3  }
0xc3: {  	[dreg:$0x1] =	wrdreg $0xFFFFFFFF  }
0xc4: {  	_ =	task.clear_ibuf [dreg:s8], $0x2FFFF;
	_ =	strace $0x9FFFFFFF  }
0xc5: {  	(tm) =	ssettm $0x7FFFFFFF  }
tec
execute0_lowered:
.L_overlay_start_1:
0x0: {  	(tag) =	ssettag $0x1  }
0x1: {  	s0 =	rddreg [dreg:$0x0]  }
0x2: {  	s1 =	rddreg [dreg:$0x1]  }
0x3: {  	s2 =	rddreg [dreg:$0x2];
	s13 =	stileid.u32  }
0x4: {  	s3 =	rddreg [dreg:$0x3];
	s6 =	smul.u32 $0x280, s13  }
0x5: {  	s5 =	srdreg.scid;
	s4 =	simm.s32 $0x0;
	s19 =	smul.u32 $0x50000, s13  }
0x6: {  	s8 =	sand.u32 $0x1, s5;
	[smem:$0x7FF] =	sst s4;
	s28 =	smul.u32 $0x4E20, s13  }
0x7: {  	s5 =	sadd.s32 $0xA400, s0;
	s9 =	sshll.u32 s13, $0x1;
	s7 =	smul.u32 $0x2800, s8  }
0x8: {  	s9 =	sor.u32 s8, s9;
	s11 =	ssub.s32 $0x2, s8;
	s8 =	smul.u32 $0x2710, s8  }
0x9: {  	_ =	strace $0x80000047;
	s12 =	smul.u32 $0x2710, s9;
	s20 =	sshrl.u32 s11, $0x1  }
0xa: {  	s9 =	smul.u32 $0x500, s9;
	s6 =	sadd.s32 s6, s7;
	s7 =	sshrl.u32 s19, $0x2  }
0xb: {  	s8 =	sadd.s32 s8, s28;
	s10 =	sshll.u32 s6, $0x4;
	s6 =	sadd.s32 $0x600, s0  }
0xc: {  	s21 =	sshrl.u32 s12, $0x3;
	s7 =	sadd.s32 s7, s3;
	s2 =	sadd.s32 s2, s9  }
0xd: {  	s0 =	sadd.s32 s10, s0;
	s12 =	sadd.s32 s5, s21;
	[dreg:$0x12] =	wrdreg s2  }
0xe: {  	s10 =	ssub.s32 s11, s20;
	s11 =	sadd.s32 s6, s21;
	[dreg:$0x5] =	wrdreg s12  }
0xf: {  	s22 =	sadd.s32 $0xA, s21;
	s28 =	sadd.s32 $0xA000, s7;
	[dreg:$0x6] =	wrdreg s11  }
0x10: {  	s23 =	sadd.s32 s5, s22;
	[dreg:$0x18] =	wrdreg s28  }
0x11: {  	s24 =	sadd.s32 s6, s22;
	[dreg:$0x7] =	wrdreg s23  }
0x12: {  	s25 =	sadd.s32 $0x14200, s0;
	[dreg:$0x8] =	wrdreg s24  }
0x13: {  	s26 =	sadd.s32 $0x14600, s0;
	[dreg:$0x9] =	wrdreg s25  }
0x14: {  	s19 =	sadd.s32 $0xF0, s8;
	s29 =	sadd.s32 $0x14A00, s0;
	[dreg:$0xa] =	wrdreg s26  }
0x15: {  	s21 =	sshrl.u32 s19, $0x3;
	s13 =	sadd.s32 $0x14E00, s0;
	[dreg:$0xb] =	wrdreg s29  }
0x16: {  	s30 =	sadd.s32 $0x2000, s7;
	s14 =	sadd.s32 $0x15200, s0;
	[dreg:$0xc] =	wrdreg s13  }
0x17: {  	s31 =	sadd.s32 $0x4000, s7;
	s15 =	sadd.s32 $0x15600, s0;
	[dreg:$0xd] =	wrdreg s14  }
0x18: {  	s9 =	sadd.s32 $0x10000, s7;
	s16 =	sadd.s32 $0x15A00, s0;
	[dreg:$0xe] =	wrdreg s15  }
0x19: {  	s19 =	simm.s32 $0x4;
	s17 =	sadd.s32 $0x15E00, s0;
	[dreg:$0xf] =	wrdreg s16  }
0x1a: {  	s18 =	sadd.s32 $0x16200, s0;
	s0 =	sadd.s32 $0x16600, s0;
	[dreg:$0x10] =	wrdreg s17  }
0x1b: {  	s20 =	smax.u32 s10, $0x1;
	s22 =	sadd.s32 $0xA0, s8;
	[dreg:$0x11] =	wrdreg s18  }
0x1c: {  	s8 =	sadd.s32 $0xE000, s7;
	s10 =	sadd.s32 $0x12000, s7;
	[dreg:$0x13] =	wrdreg s0  }
0x1d: {  	s11 =	simm.s32 $0x200;
	s12 =	simm.s32 $0x7;
	[dreg:$0x14] =	wrdreg s20  }
0x1e: {  	s24 =	sadd.s32 s21, s6;
	s25 =	sadd.s32 s21, s5;
	[dreg:$0x15] =	wrdreg s22  }
0x1f: {  	s23 =	sadd.s32 $0x6000, s7;
	s26 =	sadd.s32 $0x8000, s7;
	s29 =	sadd.s32 $0xC000, s7  }
.Ltmp0:
0x20: {  	s13 =	simm.s32 $0x80;
	s14 =	simm.s32 $0x3;
	(pc) =	sbr.rel .LBB2_1-.Ltmp0, $4  }
0x21: {  	s15 =	simm.s32 $0x50;
	s16 =	simm.s32 $0x100;
	s17 =	simm.s32 $0x180  }
0x22: {  	s18 =	simm.s32 $0x1;
	s20 =	simm.s32 $0x2A00;
	[dreg:$0x16] =	wrdreg s23  }
0x23: {  	s21 =	simm.s32 $0x5200;
	s22 =	simm.s32 $0x2;
	[dreg:$0x17] =	wrdreg s26  }
0x24: {  	v0 =	vimm.f32 $0.0e+00;
	[dreg:$0x19] =	wrdreg s29;
	s23 =	simm.s32 $0x5;
	s26 =	simm.s32 $0x0  }
.LBB2_8:
0x25: {  	_ =	swait.ge [sflag:s18], $0x2800  }
0x26: {  	[sflag:s18] =	ssyncset.done $0x0  }
0x27: {  	[sflag:s18] =	ssyncadd.s32 $0xFFFFD800  }
0x28: {  	[spmem:s3] =	stream.indirect.scatter.add.f32 [tilespmem:s11], [sflag:$0x5], $0x80, s13, s15, $0xb8;
	[tilespmem:$0x1BA00] =	vst v63  }
0x29: {  	v1 =	vld [tilespmem:$0x80];
	_ =	sdelay $0x4  }
0x2a: {  	(xrf1) =	vunique.msk.u32 $0xffff, v1;
	_ =	sdelay $0xd  }
0x2b: {  	_, v2, vm0 =	vpop (xrf1);
	_ =	sdelay $0x3  }
0x2c: {  	v2 =	vcvt.s32.f32 v2;
	_ =	sdelay $0x1  }
0x2d: {  	[tilespmem:v1+s21+$0x0] =	vst.idx.add.f32.msk vm0, v2  }
0x2e: {  	v1 =	vld [tilespmem:$0x90];
	_ =	sdelay $0x4  }
0x2f: {  	(xrf1) =	vunique.msk.u32 $0xffff, v1;
	_ =	sdelay $0xd  }
0x30: {  	_, v2, vm0 =	vpop (xrf1);
	_ =	sdelay $0x3  }
0x31: {  	v2 =	vcvt.s32.f32 v2;
	_ =	sdelay $0x1  }
0x32: {  	[tilespmem:v1+s21+$0x0] =	vst.idx.add.f32.msk vm0, v2  }
0x33: {  	v1 =	vld [tilespmem:$0xA0];
	_ =	sdelay $0x4  }
0x34: {  	(xrf1) =	vunique.msk.u32 $0xffff, v1;
	_ =	sdelay $0xd  }
0x35: {  	_, v2, vm0 =	vpop (xrf1);
	_ =	sdelay $0x3  }
0x36: {  	v2 =	vcvt.s32.f32 v2;
	_ =	sdelay $0x1  }
0x37: {  	[tilespmem:v1+s21+$0x0] =	vst.idx.add.f32.msk vm0, v2  }
0x38: {  	v1 =	vld [tilespmem:$0xB0];
	_ =	sdelay $0x4  }
0x39: {  	(xrf1) =	vunique.msk.u32 $0xffff, v1;
	_ =	sdelay $0xd  }
0x3a: {  	_, v2, vm0 =	vpop (xrf1);
	_ =	sdelay $0x3  }
0x3b: {  	v2 =	vcvt.s32.f32 v2;
	_ =	sdelay $0x1  }
0x3c: {  	[tilespmem:v1+s21+$0x0] =	vst.idx.add.f32.msk vm0, v2  }
0x3d: {  	v1 =	vld [tilespmem:$0xC0];
	_ =	sdelay $0x4  }
0x3e: {  	(xrf1) =	vunique.msk.u32 $0xffff, v1;
	_ =	sdelay $0xd  }
0x3f: {  	_, v2, vm0 =	vpop (xrf1);
	_ =	sdelay $0x3  }
0x40: {  	v2 =	vcvt.s32.f32 v2;
	_ =	sdelay $0x1  }
0x41: {  	s28 =	simm.s32 $0x6;
	[tilespmem:v1+s21+$0x0] =	vst.idx.add.f32.msk vm0, v2  }
0x42: {  	_ =	swait.ge [sflag:s28], $0x2800  }
0x43: {  	[sflag:s28] =	ssyncset.done $0x0  }
0x44: {  	[sflag:s28] =	ssyncadd.s32 $0xFFFFD800  }
0x45: {  	_ =	swait.ge [sflag:s23], $0x2800  }
0x46: {  	[sflag:s23] =	ssyncset.done $0x0  }
0x47: {  	[sflag:s23] =	ssyncadd.s32 $0xFFFFD800  }
0x48: {  	[bflag:$0x0] =	sbarrier.arrive $0xFFFF  }
0x49: {  	[tilespmem:s11], [sflag:$0x7] =	stream.linear.gather [spmem:s7], $0x2000, $0x38;
	[tilespmem:$0x1BA00] =	vst v63  }
0x4a: {  	_ =	swait.ge [sflag:s12], $0x2000  }
0x4b: {  	[sflag:s12] =	ssyncset.done $0x0  }
0x4c: {  	s29 =	rddreg [dreg:$0x9];
	[sflag:s12] =	ssyncadd.s32 $0xFFFFE000  }
0x4d: {  	[hbm4b:s29+s4] =	stream.linear.scatter [tilespmem:s11], [sflag:$0x7], $0x2000, $0x38;
	[tilespmem:$0x1BA00] =	vst v63  }
0x4e: {  	_ =	swait.ge [sflag:s12], $0x2000  }
0x4f: {  	[sflag:s12] =	ssyncset.done $0x0  }
0x50: {  	[sflag:s12] =	ssyncadd.s32 $0xFFFFE000  }
0x51: {  	[tilespmem:s11], [sflag:$0x7] =	stream.linear.gather [spmem:s0], $0x2000, $0x38;
	[tilespmem:$0x1BA00] =	vst v63  }
0x52: {  	_ =	swait.ge [sflag:s12], $0x2000  }
0x53: {  	[sflag:s12] =	ssyncset.done $0x0  }
0x54: {  	s30 =	smov.u32 s0;
	s0 =	rddreg [dreg:$0xa];
	[sflag:s12] =	ssyncadd.s32 $0xFFFFE000  }
0x55: {  	[hbm4b:s0+s4] =	stream.linear.scatter [tilespmem:s11], [sflag:$0x7], $0x2000, $0x38;
	[tilespmem:$0x1BA00] =	vst v63  }
0x56: {  	_ =	swait.ge [sflag:s12], $0x2000  }
0x57: {  	[sflag:s12] =	ssyncset.done $0x0  }
0x58: {  	[sflag:s12] =	ssyncadd.s32 $0xFFFFE000  }
0x59: {  	[tilespmem:s11], [sflag:$0x7] =	stream.linear.gather [spmem:s2], $0x2000, $0x38;
	[tilespmem:$0x1BA00] =	vst v63  }
0x5a: {  	_ =	swait.ge [sflag:s12], $0x2000  }
0x5b: {  	[sflag:s12] =	ssyncset.done $0x0  }
0x5c: {  	s31 =	smov.u32 s2;
	s2 =	rddreg [dreg:$0xb];
	[sflag:s12] =	ssyncadd.s32 $0xFFFFE000  }
0x5d: {  	[hbm4b:s2+s4] =	stream.linear.scatter [tilespmem:s11], [sflag:$0x7], $0x2000, $0x38;
	[tilespmem:$0x1BA00] =	vst v63  }
0x5e: {  	_ =	swait.ge [sflag:s12], $0x2000  }
0x5f: {  	[sflag:s12] =	ssyncset.done $0x0  }
0x60: {  	s29 =	rddreg [dreg:$0x16];
	[sflag:s12] =	ssyncadd.s32 $0xFFFFE000  }
0x61: {  	[tilespmem:s11], [sflag:$0x7] =	stream.linear.gather [spmem:s29], $0x2000, $0x38;
	[tilespmem:$0x1BA00] =	vst v63  }
0x62: {  	_ =	swait.ge [sflag:s12], $0x2000  }
0x63: {  	[sflag:s12] =	ssyncset.done $0x0  }
0x64: {  	s2 =	rddreg [dreg:$0xc];
	[sflag:s12] =	ssyncadd.s32 $0xFFFFE000  }
0x65: {  	[hbm4b:s2+s4] =	stream.linear.scatter [tilespmem:s11], [sflag:$0x7], $0x2000, $0x38;
	[tilespmem:$0x1BA00] =	vst v63  }
0x66: {  	_ =	swait.ge [sflag:s12], $0x2000  }
0x67: {  	[sflag:s12] =	ssyncset.done $0x0  }
0x68: {  	s29 =	rddreg [dreg:$0x17];
	[sflag:s12] =	ssyncadd.s32 $0xFFFFE000  }
0x69: {  	[tilespmem:s11], [sflag:$0x7] =	stream.linear.gather [spmem:s29], $0x2000, $0x38;
	[tilespmem:$0x1BA00] =	vst v63  }
0x6a: {  	_ =	swait.ge [sflag:s12], $0x2000  }
0x6b: {  	[sflag:s12] =	ssyncset.done $0x0  }
0x6c: {  	s2 =	rddreg [dreg:$0xd];
	[sflag:s12] =	ssyncadd.s32 $0xFFFFE000  }
0x6d: {  	[hbm4b:s2+s4] =	stream.linear.scatter [tilespmem:s11], [sflag:$0x7], $0x2000, $0x38;
	[tilespmem:$0x1BA00] =	vst v63  }
0x6e: {  	_ =	swait.ge [sflag:s12], $0x2000  }
0x6f: {  	[sflag:s12] =	ssyncset.done $0x0  }
0x70: {  	s29 =	rddreg [dreg:$0x18];
	[sflag:s12] =	ssyncadd.s32 $0xFFFFE000  }
0x71: {  	[tilespmem:s11], [sflag:$0x7] =	stream.linear.gather [spmem:s29], $0x2000, $0x38;
	[tilespmem:$0x1BA00] =	vst v63  }
0x72: {  	_ =	swait.ge [sflag:s12], $0x2000  }
0x73: {  	[sflag:s12] =	ssyncset.done $0x0  }
0x74: {  	s2 =	rddreg [dreg:$0xe];
	[sflag:s12] =	ssyncadd.s32 $0xFFFFE000  }
0x75: {  	[hbm4b:s2+s4] =	stream.linear.scatter [tilespmem:s11], [sflag:$0x7], $0x2000, $0x38;
	[tilespmem:$0x1BA00] =	vst v63  }
0x76: {  	_ =	swait.ge [sflag:s12], $0x2000  }
0x77: {  	[sflag:s12] =	ssyncset.done $0x0  }
0x78: {  	s29 =	rddreg [dreg:$0x19];
	[sflag:s12] =	ssyncadd.s32 $0xFFFFE000  }
0x79: {  	[tilespmem:s11], [sflag:$0x7] =	stream.linear.gather [spmem:s29], $0x2000, $0x38;
	[tilespmem:$0x1BA00] =	vst v63  }
0x7a: {  	_ =	swait.ge [sflag:s12], $0x2000  }
0x7b: {  	[sflag:s12] =	ssyncset.done $0x0  }
0x7c: {  	s0 =	rddreg [dreg:$0xf];
	[sflag:s12] =	ssyncadd.s32 $0xFFFFE000  }
0x7d: {  	[hbm4b:s0+s4] =	stream.linear.scatter [tilespmem:s11], [sflag:$0x7], $0x2000, $0x38;
	[tilespmem:$0x1BA00] =	vst v63  }
0x7e: {  	_ =	swait.ge [sflag:s12], $0x2000  }
0x7f: {  	[sflag:s12] =	ssyncset.done $0x0  }
0x80: {  	[sflag:s12] =	ssyncadd.s32 $0xFFFFE000  }
0x81: {  	[tilespmem:s11], [sflag:$0x7] =	stream.linear.gather [spmem:s8], $0x2000, $0x38;
	[tilespmem:$0x1BA00] =	vst v63  }
0x82: {  	_ =	swait.ge [sflag:s12], $0x2000  }
0x83: {  	[sflag:s12] =	ssyncset.done $0x0  }
0x84: {  	s2 =	rddreg [dreg:$0x10];
	[sflag:s12] =	ssyncadd.s32 $0xFFFFE000  }
0x85: {  	[hbm4b:s2+s4] =	stream.linear.scatter [tilespmem:s11], [sflag:$0x7], $0x2000, $0x38;
	[tilespmem:$0x1BA00] =	vst v63  }
0x86: {  	_ =	swait.ge [sflag:s12], $0x2000  }
0x87: {  	[sflag:s12] =	ssyncset.done $0x0  }
0x88: {  	[sflag:s12] =	ssyncadd.s32 $0xFFFFE000  }
0x89: {  	[tilespmem:s11], [sflag:$0x7] =	stream.linear.gather [spmem:s9], $0x2000, $0x38;
	[tilespmem:$0x1BA00] =	vst v63  }
0x8a: {  	_ =	swait.ge [sflag:s12], $0x2000  }
0x8b: {  	[sflag:s12] =	ssyncset.done $0x0  }
0x8c: {  	s29 =	rddreg [dreg:$0x11];
	[sflag:s12] =	ssyncadd.s32 $0xFFFFE000  }
0x8d: {  	[hbm4b:s29+s4] =	stream.linear.scatter [tilespmem:s11], [sflag:$0x7], $0x2000, $0x38;
	[tilespmem:$0x1BA00] =	vst v63  }
0x8e: {  	_ =	swait.ge [sflag:s12], $0x2000  }
0x8f: {  	[sflag:s12] =	ssyncset.done $0x0  }
0x90: {  	[sflag:s12] =	ssyncadd.s32 $0xFFFFE000  }
0x91: {  	[tilespmem:s11], [sflag:$0x7] =	stream.linear.gather [spmem:s10], $0x2000, $0x38;
	[tilespmem:$0x1BA00] =	vst v63  }
0x92: {  	_ =	swait.ge [sflag:s12], $0x2000  }
0x93: {  	[sflag:s12] =	ssyncset.done $0x0  }
0x94: {  	s0 =	rddreg [dreg:$0x13];
	[sflag:s12] =	ssyncadd.s32 $0xFFFFE000  }
0x95: {  	[hbm4b:s0+s4] =	stream.linear.scatter [tilespmem:s11], [sflag:$0x7], $0x2000, $0x38;
	[tilespmem:$0x1BA00] =	vst v63  }
0x96: {  	_ =	swait.ge [sflag:s12], $0x2000  }
0x97: {  	[sflag:s12] =	ssyncset.done $0x0  }
0x98: {  	s2 =	rddreg [dreg:$0x12];
	[sflag:s12] =	ssyncadd.s32 $0xFFFFE000  }
0x99: {  	[hbm4b:s2+s4] =	stream.linear.scatter [tilespmem:s21], [sflag:$0x7], $0x2800, $0x38;
	[tilespmem:$0x1BA00] =	vst v63  }
0x9a: {  	_ =	swait.ge [sflag:s12], $0x2800  }
0x9b: {  	s26 =	sadd.s32 $0x1, s26;
	s29 =	rddreg [dreg:$0x14]  }
0x9c: {  	p0 =	sne.s32 s26, s29  }
.Ltmp1:
0x9d: {  	_ = 	snop;
	(pc) =	sbr.rel @!p0 .LBB2_9-.Ltmp1, $3  }
0x9e: {  	_ =	sdelay $0x1  }
0x9f: {  	[sflag:s12] =	ssyncset.done $0x0  }
0xa0: {  	[sflag:s12] =	ssyncadd.s32 $0xFFFFD800  }
.LBB2_1:
0xa1: {  	s28 =	simm.s32 $0x0;
	s29 =	simm.s32 $0x200  }
.LBB2_2:
0xa2: {  	p0 =	sne.s32 s29, $0x9E00;
	[tilespmem:s28+$0x270] =	vst v0  }
0xa3: {  	[tilespmem:s28+$0x200] =	vst v0  }
0xa4: {  	[tilespmem:s28+$0x210] =	vst v0  }
.Ltmp2:
0xa5: {  	[tilespmem:s28+$0x220] =	vst v0;
	(pc) =	sbr.rel @p0 .LBB2_2-.Ltmp2, $4  }
0xa6: {  	[tilespmem:s28+$0x230] =	vst v0  }
0xa7: {  	[tilespmem:s28+$0x240] =	vst v0  }
0xa8: {  	[tilespmem:s28+$0x250] =	vst v0  }
0xa9: {  	[tilespmem:s28+$0x260] =	vst v0;
	s28 =	sshra.s32 s29, $0x2;
	s29 =	sadd.s32 $0x200, s29  }
0xaa: {  	[tilespmem:s28+$0x270] =	vst v0  }
0xab: {  	[tilespmem:s28+$0x200] =	vst v0  }
0xac: {  	[tilespmem:s28+$0x210] =	vst v0  }
0xad: {  	[tilespmem:s28+$0x220] =	vst v0  }
0xae: {  	[tilespmem:s28+$0x230] =	vst v0  }
0xaf: {  	[tilespmem:s28+$0x240] =	vst v0  }
0xb0: {  	[tilespmem:s28+$0x250] =	vst v0  }
0xb1: {  	[tilespmem:s28+$0x260] =	vst v0;
	s28 =	simm.s32 $0x40;
	s29 =	simm.s32 $0x0  }
.LBB2_4:
0xb2: {  	p0 =	sne.s32 s28, $0x9FC0;
	[tilespmem:s29+$0x5200] =	vst v0;
	s29 =	smov.u32 s28;
	s28 =	sadd.s32 $0x40, s28  }
.Ltmp3:
0xb3: {  	(pc) =	sbr.rel @p0 .LBB2_4-.Ltmp3, $2  }
0xb4: {  	_ =	sdelay $0x2  }
0xb5: {  	s29 =	sshra.s32 s29, $0x2  }
0xb6: {  	[tilespmem:s29+$0x5200] =	vst v0  }
0xb7: {  	[spmem:s7] =	stream.linear.scatter [tilespmem:s11], [sflag:$0x7], $0x2000, $0x38;
	[tilespmem:$0x1BA00] =	vst v63  }
0xb8: {  	_ =	swait.ge [sflag:s12], $0x2000  }
0xb9: {  	[sflag:s12] =	ssyncset.done $0x0  }
0xba: {  	[sflag:s12] =	ssyncadd.s32 $0xFFFFE000  }
0xbb: {  	[spmem:s30] =	stream.linear.scatter [tilespmem:s11], [sflag:$0x7], $0x2000, $0x38;
	[tilespmem:$0x1BA00] =	vst v63  }
0xbc: {  	_ =	swait.ge [sflag:s12], $0x2000  }
0xbd: {  	[sflag:s12] =	ssyncset.done $0x0  }
0xbe: {  	[sflag:s12] =	ssyncadd.s32 $0xFFFFE000  }
0xbf: {  	[spmem:s31] =	stream.linear.scatter [tilespmem:s11], [sflag:$0x7], $0x2000, $0x38;
	[tilespmem:$0x1BA00] =	vst v63  }
0xc0: {  	_ =	swait.ge [sflag:s12], $0x2000  }
0xc1: {  	[sflag:s12] =	ssyncset.done $0x0  }
0xc2: {  	s28 =	rddreg [dreg:$0x16];
	[sflag:s12] =	ssyncadd.s32 $0xFFFFE000  }
0xc3: {  	[spmem:s28] =	stream.linear.scatter [tilespmem:s11], [sflag:$0x7], $0x2000, $0x38;
	[tilespmem:$0x1BA00] =	vst v63  }
0xc4: {  	_ =	swait.ge [sflag:s12], $0x2000  }
0xc5: {  	[sflag:s12] =	ssyncset.done $0x0  }
0xc6: {  	s28 =	rddreg [dreg:$0x17];
	[sflag:s12] =	ssyncadd.s32 $0xFFFFE000  }
0xc7: {  	[spmem:s28] =	stream.linear.scatter [tilespmem:s11], [sflag:$0x7], $0x2000, $0x38;
	[tilespmem:$0x1BA00] =	vst v63  }
0xc8: {  	_ =	swait.ge [sflag:s12], $0x2000  }
0xc9: {  	[sflag:s12] =	ssyncset.done $0x0  }
0xca: {  	s28 =	rddreg [dreg:$0x18];
	[sflag:s12] =	ssyncadd.s32 $0xFFFFE000  }
0xcb: {  	[spmem:s28] =	stream.linear.scatter [tilespmem:s11], [sflag:$0x7], $0x2000, $0x38;
	[tilespmem:$0x1BA00] =	vst v63  }
0xcc: {  	_ =	swait.ge [sflag:s12], $0x2000  }
0xcd: {  	[sflag:s12] =	ssyncset.done $0x0  }
0xce: {  	s28 =	rddreg [dreg:$0x19];
	[sflag:s12] =	ssyncadd.s32 $0xFFFFE000  }
0xcf: {  	[spmem:s28] =	stream.linear.scatter [tilespmem:s11], [sflag:$0x7], $0x2000, $0x38;
	[tilespmem:$0x1BA00] =	vst v63  }
0xd0: {  	_ =	swait.ge [sflag:s12], $0x2000  }
0xd1: {  	[sflag:s12] =	ssyncset.done $0x0  }
0xd2: {  	[sflag:s12] =	ssyncadd.s32 $0xFFFFE000  }
0xd3: {  	[spmem:s8] =	stream.linear.scatter [tilespmem:s11], [sflag:$0x7], $0x2000, $0x38;
	[tilespmem:$0x1BA00] =	vst v63  }
0xd4: {  	_ =	swait.ge [sflag:s12], $0x2000  }
0xd5: {  	[sflag:s12] =	ssyncset.done $0x0  }
0xd6: {  	[sflag:s12] =	ssyncadd.s32 $0xFFFFE000  }
0xd7: {  	[spmem:s9] =	stream.linear.scatter [tilespmem:s11], [sflag:$0x7], $0x2000, $0x38;
	[tilespmem:$0x1BA00] =	vst v63  }
0xd8: {  	_ =	swait.ge [sflag:s12], $0x2000  }
0xd9: {  	[sflag:s12] =	ssyncset.done $0x0  }
0xda: {  	[sflag:s12] =	ssyncadd.s32 $0xFFFFE000  }
0xdb: {  	[spmem:s10] =	stream.linear.scatter [tilespmem:s11], [sflag:$0x7], $0x2000, $0x38;
	[tilespmem:$0x1BA00] =	vst v63  }
0xdc: {  	_ =	swait.ge [sflag:s12], $0x2000  }
0xdd: {  	[sflag:s12] =	ssyncset.done $0x0  }
0xde: {  	[sflag:s12] =	ssyncadd.s32 $0xFFFFE000  }
0xdf: {  	[bflag:$0x0] =	sbarrier.arrive $0xFFFF  }
0xe0: {  	s28 =	simm.s32 $0x0;
	s29 =	rddreg [dreg:$0x5]  }
0xe1: {  	[tilespmem:s28], [sflag:$0x3] =	stream.linear.gather [hbm4b:s29+s28], $0x50, $0x38;
	[tilespmem:$0x1BA00] =	vst v63  }
0xe2: {  	s29 =	rddreg [dreg:$0x6]  }
0xe3: {  	[tilespmem:s13], [sflag:$0x3] =	stream.linear.gather [hbm4b:s29+s28], $0x50, $0x38;
	[tilespmem:$0x1BA00] =	vst v63  }
0xe4: {  	_ =	swait.ge [sflag:s14], $0x50  }
0xe5: {  	[sflag:s14] =	ssyncset.done $0x0  }
0xe6: {  	[sflag:s14] =	ssyncadd.s32 $0xFFFFFFB0  }
0xe7: {  	_ =	swait.ge [sflag:s14], $0x50  }
0xe8: {  	[sflag:s14] =	ssyncset.done $0x0  }
0xe9: {  	[sflag:s14] =	ssyncadd.s32 $0xFFFFFFB0  }
0xea: {  	[tilespmem:s11], [sflag:$0x1] =	stream.indirect.gather [hbm4b:s1+s15], $0x80, s28, s15, $0xb8;
	[tilespmem:$0x1BA00] =	vst v63  }
0xeb: {  	s29 =	rddreg [dreg:$0x7]  }
0xec: {  	[tilespmem:s16], [sflag:$0x4] =	stream.linear.gather [hbm4b:s29+s28], $0x50, $0x38;
	[tilespmem:$0x1BA00] =	vst v63  }
0xed: {  	s29 =	rddreg [dreg:$0x8]  }
0xee: {  	[tilespmem:s17], [sflag:$0x4] =	stream.linear.gather [hbm4b:s29+s28], $0x50, $0x38;
	[tilespmem:$0x1BA00] =	vst v63  }
0xef: {  	s0 =	smov.u32 s30;
	s2 =	smov.u32 s31;
	s29 =	rddreg [dreg:$0x15]  }
.LBB2_6:
0xf0: {  	_ =	swait.ge [sflag:s18], $0x2800  }
0xf1: {  	[sflag:s18] =	ssyncset.done $0x0  }
0xf2: {  	[sflag:s18] =	ssyncadd.s32 $0xFFFFD800  }
0xf3: {  	_ =	swait.ge [sflag:s19], $0x50  }
0xf4: {  	[sflag:s19] =	ssyncset.done $0x0  }
0xf5: {  	[sflag:s19] =	ssyncadd.s32 $0xFFFFFFB0  }
0xf6: {  	_ =	swait.ge [sflag:s19], $0x50  }
0xf7: {  	p0 =	seq.s32 s28, $0x0;
	[sflag:s19] =	ssyncset.done $0x0  }
0xf8: {  	s30 =	simm.s32 @!p0 $0x6;
	[sflag:s19] =	ssyncadd.s32 $0xFFFFFFB0  }
0xf9: {  	_ =	swait.ge @!p0 [sflag:s30], $0x2800  }
0xfa: {  	[sflag:s30] =	ssyncset.done @!p0 $0x0  }
0xfb: {  	[sflag:s30] =	ssyncadd.s32 @!p0 $0xFFFFD800  }
0xfc: {  	[tilespmem:s20], [sflag:$0x2] =	stream.indirect.gather [hbm4b:s1+s15], $0x80, s16, s15, $0xb8;
	[tilespmem:$0x1BA00] =	vst v63  }
0xfd: {  	_ = 	snop  }
0xfe: {  	[spmem:s3] =	stream.indirect.scatter.add.f32 [tilespmem:s11], [sflag:$0x5], $0x80, s13, s15, $0xb8;
	[tilespmem:$0x1BA00] =	vst v63  }
0xff: {  	v1 =	vld [tilespmem:$0x80];
	_ =	sdelay $0x4  }
0x100: {  	(xrf1) =	vunique.msk.u32 $0xffff, v1;
	_ =	sdelay $0xd  }
0x101: {  	_, v2, vm0 =	vpop (xrf1);
	_ =	sdelay $0x3  }
0x102: {  	v2 =	vcvt.s32.f32 v2;
	_ =	sdelay $0x1  }
0x103: {  	[tilespmem:v1+s21+$0x0] =	vst.idx.add.f32.msk vm0, v2  }
0x104: {  	v1 =	vld [tilespmem:$0x90];
	_ =	sdelay $0x4  }
0x105: {  	(xrf1) =	vunique.msk.u32 $0xffff, v1;
	_ =	sdelay $0xd  }
0x106: {  	_, v2, vm0 =	vpop (xrf1);
	_ =	sdelay $0x3  }
0x107: {  	v2 =	vcvt.s32.f32 v2;
	_ =	sdelay $0x1  }
0x108: {  	[tilespmem:v1+s21+$0x0] =	vst.idx.add.f32.msk vm0, v2  }
0x109: {  	v1 =	vld [tilespmem:$0xA0];
	_ =	sdelay $0x4  }
0x10a: {  	(xrf1) =	vunique.msk.u32 $0xffff, v1;
	_ =	sdelay $0xd  }
0x10b: {  	_, v2, vm0 =	vpop (xrf1);
	_ =	sdelay $0x3  }
0x10c: {  	v2 =	vcvt.s32.f32 v2;
	_ =	sdelay $0x1  }
0x10d: {  	[tilespmem:v1+s21+$0x0] =	vst.idx.add.f32.msk vm0, v2  }
0x10e: {  	v1 =	vld [tilespmem:$0xB0];
	_ =	sdelay $0x4  }
0x10f: {  	(xrf1) =	vunique.msk.u32 $0xffff, v1;
	_ =	sdelay $0xd  }
0x110: {  	_, v2, vm0 =	vpop (xrf1);
	_ =	sdelay $0x3  }
0x111: {  	v2 =	vcvt.s32.f32 v2;
	_ =	sdelay $0x1  }
0x112: {  	[tilespmem:v1+s21+$0x0] =	vst.idx.add.f32.msk vm0, v2  }
0x113: {  	v1 =	vld [tilespmem:$0xC0];
	_ =	sdelay $0x4  }
0x114: {  	(xrf1) =	vunique.msk.u32 $0xffff, v1;
	_ =	sdelay $0xd  }
0x115: {  	_, v2, vm0 =	vpop (xrf1);
	_ =	sdelay $0x3  }
0x116: {  	v2 =	vcvt.s32.f32 v2  }
0x117: {  	s30 =	sshrl.u32 s29, $0x3  }
0x118: {  	s31 =	sadd.s32 s5, s30;
	[tilespmem:v1+s21+$0x0] =	vst.idx.add.f32.msk vm0, v2  }
0x119: {  	[tilespmem:s4], [sflag:$0x3] =	stream.linear.gather [hbm4b:s31+s4], $0x50, $0x38;
	[tilespmem:$0x1BA00] =	vst v63  }
0x11a: {  	s30 =	sadd.s32 s6, s30  }
0x11b: {  	[tilespmem:s13], [sflag:$0x3] =	stream.linear.gather [hbm4b:s30+s4], $0x50, $0x38;
	[tilespmem:$0x1BA00] =	vst v63  }
0x11c: {  	_ =	swait.ge [sflag:s22], $0x2800  }
0x11d: {  	[sflag:s22] =	ssyncset.done $0x0  }
0x11e: {  	[sflag:s22] =	ssyncadd.s32 $0xFFFFD800  }
0x11f: {  	_ =	swait.ge [sflag:s14], $0x50  }
0x120: {  	[sflag:s14] =	ssyncset.done $0x0  }
0x121: {  	[sflag:s14] =	ssyncadd.s32 $0xFFFFFFB0  }
0x122: {  	_ =	swait.ge [sflag:s14], $0x50  }
0x123: {  	[sflag:s14] =	ssyncset.done $0x0  }
0x124: {  	[sflag:s14] =	ssyncadd.s32 $0xFFFFFFB0  }
0x125: {  	_ =	swait.ge [sflag:s23], $0x2800  }
0x126: {  	[sflag:s23] =	ssyncset.done $0x0  }
0x127: {  	[sflag:s23] =	ssyncadd.s32 $0xFFFFD800  }
0x128: {  	[tilespmem:s11], [sflag:$0x1] =	stream.indirect.gather [hbm4b:s1+s15], $0x80, s4, s15, $0xb8;
	[tilespmem:$0x1BA00] =	vst v63  }
0x129: {  	_ = 	snop  }
0x12a: {  	[spmem:s3] =	stream.indirect.scatter.add.f32 [tilespmem:s20], [sflag:$0x6], $0x80, s17, s15, $0xb8;
	[tilespmem:$0x1BA00] =	vst v63  }
0x12b: {  	v1 =	vld [tilespmem:$0x180];
	_ =	sdelay $0x4  }
0x12c: {  	(xrf1) =	vunique.msk.u32 $0xffff, v1;
	_ =	sdelay $0xd  }
0x12d: {  	_, v2, vm0 =	vpop (xrf1);
	_ =	sdelay $0x3  }
0x12e: {  	v2 =	vcvt.s32.f32 v2;
	_ =	sdelay $0x1  }
0x12f: {  	[tilespmem:v1+s21+$0x0] =	vst.idx.add.f32.msk vm0, v2  }
0x130: {  	v1 =	vld [tilespmem:$0x190];
	_ =	sdelay $0x4  }
0x131: {  	(xrf1) =	vunique.msk.u32 $0xffff, v1;
	_ =	sdelay $0xd  }
0x132: {  	_, v2, vm0 =	vpop (xrf1);
	_ =	sdelay $0x3  }
0x133: {  	v2 =	vcvt.s32.f32 v2;
	_ =	sdelay $0x1  }
0x134: {  	[tilespmem:v1+s21+$0x0] =	vst.idx.add.f32.msk vm0, v2  }
0x135: {  	v1 =	vld [tilespmem:$0x1A0];
	_ =	sdelay $0x4  }
0x136: {  	(xrf1) =	vunique.msk.u32 $0xffff, v1;
	_ =	sdelay $0xd  }
0x137: {  	_, v2, vm0 =	vpop (xrf1);
	_ =	sdelay $0x3  }
0x138: {  	v2 =	vcvt.s32.f32 v2;
	_ =	sdelay $0x1  }
0x139: {  	[tilespmem:v1+s21+$0x0] =	vst.idx.add.f32.msk vm0, v2  }
0x13a: {  	v1 =	vld [tilespmem:$0x1B0];
	_ =	sdelay $0x4  }
0x13b: {  	(xrf1) =	vunique.msk.u32 $0xffff, v1;
	_ =	sdelay $0xd  }
0x13c: {  	_, v2, vm0 =	vpop (xrf1);
	_ =	sdelay $0x3  }
0x13d: {  	v2 =	vcvt.s32.f32 v2;
	_ =	sdelay $0x1  }
0x13e: {  	[tilespmem:v1+s21+$0x0] =	vst.idx.add.f32.msk vm0, v2  }
0x13f: {  	v1 =	vld [tilespmem:$0x1C0];
	_ =	sdelay $0x4  }
0x140: {  	(xrf1) =	vunique.msk.u32 $0xffff, v1;
	_ =	sdelay $0xd  }
0x141: {  	_, v2, vm0 =	vpop (xrf1)  }
0x142: {  	p0 =	seq.s32 s28, $0x4C4  }
.Ltmp4:
0x143: {  	_ = 	snop;
	(pc) =	sbr.rel @p0 .LBB2_8-.Ltmp4, $3  }
0x144: {  	_ = 	snop  }
0x145: {  	v2 =	vcvt.s32.f32 v2;
	_ =	sdelay $0x1  }
0x146: {  	[tilespmem:v1+s21+$0x0] =	vst.idx.add.f32.msk vm0, v2  }
.Ltmp5:
0x147: {  	(pc) =	sbr.rel .LBB2_6-.Ltmp5, $4  }
0x148: {  	s30 =	sadd.s32 s28, s25  }
0x149: {  	[tilespmem:s16], [sflag:$0x4] =	stream.linear.gather [hbm4b:s30+s4], $0x50, $0x38;
	[tilespmem:$0x1BA00] =	vst v63  }
0x14a: {  	s31 =	sadd.s32 s28, s24;
	s28 =	sadd.s32 $0x14, s28;
	s29 =	sadd.s32 $0xA0, s29  }
0x14b: {  	[tilespmem:s17], [sflag:$0x4] =	stream.linear.gather [hbm4b:s31+s4], $0x50, $0x38;
	[tilespmem:$0x1BA00] =	vst v63  }
.LBB2_9:
0x14c: {  	_ =	sfence.sel $0x180000  }
0x14d: {  	[bflag:$0x0] =	sbarrier.arrive $0xFFFF  }
0x14e: {  	_ =	strace $0x90000047  }
0x14f: {  	s0 =	stileid.u32;
	[bflag:$0x2] =	sbarrier.arrive $0xFFFF  }
0x150: {  	p0 =	sne.s32 s0, $0x0;
	s0 =	rddreg [dreg:$0x4]  }
0x151: {  	s0 =	sadd.s32 @!p0 $0x100000, s0  }
0x152: {  	[sflag:s0] =	ssyncadd.tile.s32 @!p0 $0x1;
	_ =	shalt  }
.Lfunc_end2:
_tile_overlayer_lowered:
.L_overlay_start_2:
0x153: {  	(tag) =	ssettag $0x2  }
0x154: {  	s0 =	rddreg [dreg:$0x0];
	s2 =	stileid.u32  }
0x155: {  	s1 =	rddreg [dreg:$0x1];
	p0 =	sne.s32 s2, $0x0  }
0x156: {  	s3 =	rddreg [dreg:$0x2];
	[bflag:$0x3] =	sbarrier.arrive $0xFFFF;
	s2 =	simm.s32 @!p0 $0x1C07  }
0x157: {  	[timem:s3], [sflag:s2] =	dma.local @!p0 [hbm:s0], s1  }
0x158: {  	s0 =	simm.s32 @!p0 $0x7  }
0x159: {  	_ =	swait.ge @!p0 [sflag:s0], s1  }
0x15a: {  	s1 =	ssub.s32 @!p0 $0x0, s1;
	[sflag:s0] =	ssyncset.done @!p0 $0x0  }
0x15b: {  	[sflag:s0] =	ssyncadd.s32 @!p0 s1  }
0x15c: {  	[bflag:$0x3] =	sbarrier.arrive $0xFFFF  }
0x15d: {  	_ =	shalt  }

</sc_bundles>
